<compile_context>
chip_gen: v7x
topology: tpu7x:2x2x1
jax: 0.10.2.dev20260603
libtpu: 0.0.44.dev20260713+nightly
codegen_flags: <defaults>
</compile_context>

<pallas_src>
import functools

import jax
import jax.numpy as jnp
from jax import lax
from jax.experimental import pallas as pl
from jax.experimental.pallas import tpu as pltpu
from jax.experimental.pallas import tpu_sc as plsc

_B = 4096
_H = 200
_D = 300
_HW = 160
_PD = 256
_PW = 2 * _HW
_NC = 2
_NS = 16
_NW = _NC * _NS
_BPW = _B // _NW
_CH0 = 104
_CH1 = 96
_F1 = 150
_F2 = 150
_NA = _HW // 16


def _sc_pool_body(x_hbm, emb_hbm, out_hbm, idx_v, rows_v, pool_v, sem0, sem1):
    wid = lax.axis_index("s") * _NC + lax.axis_index("c")
    base = wid * _BPW
    pltpu.sync_copy(
        x_hbm.at[pl.ds(pl.multiple_of(base * _H, 8), _BPW * _H)], idx_v)

    def gather(i, c):
        off = pl.multiple_of(i * _H + c * _CH0, 8)
        dst = rows_v.at[c, pl.ds(0, _CH1 if c else _CH0)]
        sem = sem1 if c else sem0
        return pltpu.make_async_copy(
            emb_hbm.at[idx_v.at[pl.ds(off, _CH1 if c else _CH0)]], dst, sem)

    def start(i, c):
        gather(i, c).start()

    def wait(i, c):
        gather(i, c).wait()

    def accum(accs, slot, nrows):
        def row_body(r, a):
            a = list(a)
            for rr in (2 * r, 2 * r + 1):
                for j in range(_NA):
                    w = rows_v[slot, rr, pl.ds(j * 16, 16)]
                    lo, hi = plsc.unpack(
                        plsc.bitcast(w, jnp.bfloat16),
                        format=plsc.PackFormat.INTERLEAVED,
                        preferred_element_type=jnp.float32)
                    a[j] = a[j] + lo
                    a[_NA + j] = a[_NA + j] + hi
            return tuple(a)
        return lax.fori_loop(0, nrows // 2, row_body, accs)

    start(0, 0)

    def elem_body(i, carry):
        start(i, 1)
        wait(i, 0)
        accs = accum((jnp.zeros((16,), jnp.float32),) * (2 * _NA), 0, _CH0)

        @pl.when(i + 1 < _BPW)
        def _():
            start(i + 1, 0)

        wait(i, 1)
        accs = accum(accs, 1, _CH1)
        for j in range(2 * _NA):
            pool_v[pl.ds(j * 16, 16)] = accs[j]
        b = base + i
        pltpu.sync_copy(
            pool_v, out_hbm.at[pl.ds(pl.multiple_of(b * _PW, 8), _PW)])
        return carry

    lax.fori_loop(0, _BPW, elem_body, 0)


_sc_pool = functools.partial(
    pl.kernel,
    mesh=plsc.VectorSubcoreMesh(core_axis_name="c", subcore_axis_name="s"),
    out_type=jax.ShapeDtypeStruct((_B * _PW,), jnp.float32),
    compiler_params=pltpu.CompilerParams(needs_layout_passes=False),
    scratch_types=[
        pltpu.VMEM((_BPW * _H,), jnp.int32),
        pltpu.VMEM((2, _CH0, _PD), jnp.float32),
        pltpu.VMEM((_PW,), jnp.float32),
        pltpu.SemaphoreType.DMA,
        pltpu.SemaphoreType.DMA,
    ],
)(_sc_pool_body)


def _pack_body(e_ref, o_ref):
    blk = e_ref.shape[0]
    e = e_ref[...]
    ep = jnp.concatenate(
        [e, jnp.zeros((blk, _PW - _D), jnp.float32)], axis=1)
    bits = lax.bitcast_convert_type(ep, jnp.uint32)
    rne = bits + jnp.uint32(0x7FFF) + ((bits >> 16) & jnp.uint32(1))
    w = (rne[:, :_HW] >> 16) | (rne[:, _HW:] & jnp.uint32(0xFFFF0000))
    w = jnp.concatenate(
        [w, jnp.zeros((blk, _PD - _HW), jnp.uint32)], axis=1)
    o_ref[...] = lax.bitcast_convert_type(w, jnp.float32)


def _mlp_body(p_ref, w1_ref, b1_ref, w2_ref, b2_ref, w3_ref, b3_ref, o_ref):
    h = p_ref[...]
    h = jnp.dot(h, w1_ref[...], preferred_element_type=jnp.float32) + b1_ref[...]
    h = jnp.maximum(h, 0.0)
    h = jnp.dot(h, w2_ref[...], preferred_element_type=jnp.float32) + b2_ref[...]
    h = jnp.maximum(h, 0.0)
    o_ref[...] = (
        jnp.dot(h, w3_ref[...], preferred_element_type=jnp.float32) + b3_ref[...])


def kernel(x, emb, w1, b1, w2, b2, w3, b3):
    x = x.astype(jnp.int32)
    vblk = 2000
    emb_p = pl.pallas_call(
        _pack_body,
        grid=(emb.shape[0] // vblk,),
        in_specs=[pl.BlockSpec((vblk, _D), lambda i: (i, 0))],
        out_specs=pl.BlockSpec((vblk, _PD), lambda i: (i, 0)),
        out_shape=jax.ShapeDtypeStruct((emb.shape[0], _PD), jnp.float32),
    )(emb)
    pooled = _sc_pool(x.reshape(-1), emb_p).reshape(_B, _PW)
    w1p = jnp.zeros((_PW, _F1), jnp.float32).at[:_D].set(w1.T * (1.0 / _H))
    blk = 1024
    out = pl.pallas_call(
        _mlp_body,
        grid=(_B // blk,),
        in_specs=[
            pl.BlockSpec((blk, _PW), lambda i: (i, 0)),
            pl.BlockSpec((_PW, _F1), lambda i: (0, 0)),
            pl.BlockSpec((1, _F1), lambda i: (0, 0)),
            pl.BlockSpec((_F1, _F2), lambda i: (0, 0)),
            pl.BlockSpec((1, _F2), lambda i: (0, 0)),
            pl.BlockSpec((_F2, 1), lambda i: (0, 0)),
            pl.BlockSpec((1, 1), lambda i: (0, 0)),
        ],
        out_specs=pl.BlockSpec((blk, 1), lambda i: (i, 0)),
        out_shape=jax.ShapeDtypeStruct((_B, 1), jnp.float32),
    )(pooled, w1p, b1.reshape(1, _F1), w2.T, b2.reshape(1, _F2),
      w3.T, b3.reshape(1, 1))
    return out

# --- scband reference (transcript-rebuilt; emitter-appended) ---
"""Pipeline reference for scband-baseline-4020089389316 (READ-ONLY COPY).

The authoritative reference and input builder live on the scoring server;
editing this copy changes nothing except your own understanding.
"""

import jax, jax.numpy as jnp
import numpy as np

VOCAB = 100000
EMB_DIM = 300
BATCH = 4096
HIST = 200


def setup_inputs(seed: int = 0) -> dict:
    key = jax.random.key(seed)
    ks = jax.random.split(key, 8)
    x = jax.random.randint(ks[0], (BATCH, HIST), 0, VOCAB)
    emb = jax.random.normal(ks[1], (VOCAB, EMB_DIM), dtype=jnp.float32) * 0.02
    w1 = jax.random.normal(ks[2], (150, 300), dtype=jnp.float32) * (1.0 / np.sqrt(300.0))
    b1 = jnp.zeros((150,), dtype=jnp.float32)
    w2 = jax.random.normal(ks[3], (150, 150), dtype=jnp.float32) * (1.0 / np.sqrt(150.0))
    b2 = jnp.zeros((150,), dtype=jnp.float32)
    w3 = jax.random.normal(ks[4], (1, 150), dtype=jnp.float32) * (1.0 / np.sqrt(150.0))
    b3 = jnp.zeros((1,), dtype=jnp.float32)
    return {"x": x, "emb": emb, "w1": w1, "b1": b1, "w2": w2, "b2": b2, "w3": w3, "b3": b3}


def reference(x, emb, w1, b1, w2, b2, w3, b3):
    # embedding lookup: [B, L, 300]
    e = jnp.take(emb, x, axis=0)
    # mean over sequence dim (x is 2-D so dim=1)
    h1 = jnp.mean(e, axis=1)
    h2 = jax.nn.relu(h1 @ w1.T + b1)
    h3 = jax.nn.relu(h2 @ w2.T + b2)
    return h3 @ w3.T + b3

if __name__ == "__main__":
    import jax
    _d = setup_inputs()
    print(jax.jit(kernel)(*tuple(_d.values())))

</pallas_src>

<mosaic_0001>
#map = affine_map<(d0, d1) -> (0)>
#map1 = affine_map<(d0, d1) -> (0, 0)>
module attributes {stable_mosaic.version = 14 : i64} {
  func.func @_sc_pool_body(%arg0: i32, %arg1: i32, %arg2: memref<819200xi32, #tpu.memory_space<hbm>>, %arg3: memref<100000x256xf32, #tpu.memory_space<hbm>>, %arg4: memref<1310720xf32, #tpu.memory_space<hbm>>, %arg5: memref<25600xi32, #tpu.memory_space<vmem>>, %arg6: memref<2x104x256xf32, #tpu.memory_space<vmem>>, %arg7: memref<320xf32, #tpu.memory_space<vmem>>, %arg8: memref<!tpu.dma_semaphore, #tpu.memory_space<semaphore_mem>>, %arg9: memref<!tpu.dma_semaphore, #tpu.memory_space<semaphore_mem>>) attributes {dimension_semantics = [#tpu.dimension_semantics<core_parallel>, #tpu.dimension_semantics<subcore_parallel>], iteration_bounds = array<i64: 2, 16>, scalar_prefetch = 0 : i64, scratch_operands = 5 : i64, tpu.core_type = #tpu.core_type<sc_vector_subcore>, window_params = [{transform_indices = #map}, {transform_indices = #map1}, {transform_indices = #map}]} {
    %mul3A = arith.constant 2 : i32
    %mul3A_0 = arith.muli %arg1, %mul3A : i32
    %add3A = arith.addi %mul3A_0, %arg0 : i32
    %mul3A_1 = arith.constant 128 : i32
    %mul3A_2 = arith.muli %add3A, %mul3A_1 : i32
    %mul3A_3 = arith.constant 200 : i32
    %mul3A_4 = arith.muli %mul3A_2, %mul3A_3 : i32
    %multiple_of3A = tpu.assume_multiple %mul3A_4, 8 : i32
    "tpu.region"() ({
      %run_scoped3A = tpu.sem_alloc : memref<!tpu.dma_semaphore, #tpu.memory_space<semaphore_mem>>
      %dma_start3A_20 = tpu.memref_slice %arg2[%multiple_of3A] : memref<819200xi32, #tpu.memory_space<hbm>> -> memref<25600xi32, #tpu.memory_space<hbm>>
      %dma_start3A_21 = tpu.memref_slice %arg2[%multiple_of3A] : memref<819200xi32, #tpu.memory_space<hbm>> -> memref<25600xi32, #tpu.memory_space<hbm>>
      tpu.enqueue_dma source(%dma_start3A_21 : memref<25600xi32, #tpu.memory_space<hbm>>) target(%arg5 : memref<25600xi32, #tpu.memory_space<vmem>>) target_semaphore(%run_scoped3A : memref<!tpu.dma_semaphore, #tpu.memory_space<semaphore_mem>>)
      %dma_wait3A = tpu.memref_slice %arg2[%multiple_of3A] : memref<819200xi32, #tpu.memory_space<hbm>> -> memref<25600xi32, #tpu.memory_space<hbm>>
      %dma_wait3A_22 = tpu.memref_slice %arg2[%multiple_of3A] : memref<819200xi32, #tpu.memory_space<hbm>> -> memref<25600xi32, #tpu.memory_space<hbm>>
      tpu.wait_dma2 semaphore(%run_scoped3A : memref<!tpu.dma_semaphore, #tpu.memory_space<semaphore_mem>>) src(%dma_wait3A_22 : memref<25600xi32, #tpu.memory_space<hbm>>) dst(%arg5 : memref<25600xi32, #tpu.memory_space<vmem>>)
      tpu.yield
    }) : () -> ()
    %multiple_of3A_5 = arith.constant 0 : i32
    %multiple_of3A_6 = tpu.assume_multiple %multiple_of3A_5, 8 : i32
    %dma_start3A = arith.constant 0 : i32
    %dma_start3A_7 = arith.constant 0 : i32
    %dma_start3A_8 = arith.constant 0 : i32
    %dma_start3A_9 = tpu.memref_slice %arg6[%dma_start3A, %dma_start3A_7, %dma_start3A_8] : memref<2x104x256xf32, #tpu.memory_space<vmem>> -> memref<1x104x256xf32, #tpu.memory_space<vmem>>
    %dma_start3A_10 = tpu.memref_squeeze %dma_start3A_9 : memref<1x104x256xf32, #tpu.memory_space<vmem>> -> memref<104x256xf32, #tpu.memory_space<vmem>>
    %dma_start3A_11 = tpu.memref_slice %arg5[%multiple_of3A_6] : memref<25600xi32, #tpu.memory_space<vmem>> -> memref<104xi32, #tpu.memory_space<vmem>>
    %dma_start3A_12 = arith.constant 0 : i32
    %dma_start3A_13 = arith.constant 0 : i32
    %dma_start3A_14 = tpu.memref_slice %arg3[%dma_start3A_12, %dma_start3A_13] : memref<100000x256xf32, #tpu.memory_space<hbm>> -> memref<100000x256xf32, #tpu.memory_space<hbm>>
    tpu.enqueue_indirect_dma source(%dma_start3A_14 : memref<100000x256xf32, #tpu.memory_space<hbm>>) target(%dma_start3A_10 : memref<104x256xf32, #tpu.memory_space<vmem>>) offsets(%dma_start3A_11 : memref<104xi32, #tpu.memory_space<vmem>>) semaphore(%arg8 : memref<!tpu.dma_semaphore, #tpu.memory_space<semaphore_mem>>)
    %scan3A = arith.constant 0 : i32
    %scan3A_15 = arith.constant 0 : i32
    %scan3A_16 = arith.constant 128 : i32
    %scan3A_17 = arith.addi %scan3A_15, %scan3A_16 : i32
    %scan3A_18 = arith.constant 1 : i32
    scf.for %scan3A_20 = %scan3A_15 to %scan3A_17 step %scan3A_18  : i32 {
      %mul3A_21 = arith.constant 200 : i32
      %mul3A_22 = arith.muli %scan3A_20, %mul3A_21 : i32
      %add3A_23 = arith.constant 104 : i32
      %add3A_24 = arith.addi %mul3A_22, %add3A_23 : i32
      %multiple_of3A_25 = tpu.assume_multiple %add3A_24, 8 : i32
      %dma_start3A_26 = arith.constant 1 : i32
      %dma_start3A_27 = arith.constant 0 : i32
      %dma_start3A_28 = arith.constant 0 : i32
      %dma_start3A_29 = tpu.memref_slice %arg6[%dma_start3A_26, %dma_start3A_27, %dma_start3A_28] : memref<2x104x256xf32, #tpu.memory_space<vmem>> -> memref<1x96x256xf32, #tpu.memory_space<vmem>>
      %dma_start3A_30 = tpu.memref_squeeze %dma_start3A_29 : memref<1x96x256xf32, #tpu.memory_space<vmem>> -> memref<96x256xf32, #tpu.memory_space<vmem>>
      %dma_start3A_31 = tpu.memref_slice %arg5[%multiple_of3A_25] : memref<25600xi32, #tpu.memory_space<vmem>> -> memref<96xi32, #tpu.memory_space<vmem>>
      %dma_start3A_32 = arith.constant 0 : i32
      %dma_start3A_33 = arith.constant 0 : i32
      %dma_start3A_34 = tpu.memref_slice %arg3[%dma_start3A_32, %dma_start3A_33] : memref<100000x256xf32, #tpu.memory_space<hbm>> -> memref<100000x256xf32, #tpu.memory_space<hbm>>
      tpu.enqueue_indirect_dma source(%dma_start3A_34 : memref<100000x256xf32, #tpu.memory_space<hbm>>) target(%dma_start3A_30 : memref<96x256xf32, #tpu.memory_space<vmem>>) offsets(%dma_start3A_31 : memref<96xi32, #tpu.memory_space<vmem>>) semaphore(%arg9 : memref<!tpu.dma_semaphore, #tpu.memory_space<semaphore_mem>>)
      %mul3A_35 = arith.constant 200 : i32
      %mul3A_36 = arith.muli %scan3A_20, %mul3A_35 : i32
      %add3A_37 = arith.constant 0 : i32
      %add3A_38 = arith.addi %mul3A_36, %add3A_37 : i32
      %multiple_of3A_39 = tpu.assume_multiple %add3A_38, 8 : i32
      %dma_wait3A = arith.constant 0 : i32
      %dma_wait3A_40 = arith.constant 0 : i32
      %dma_wait3A_41 = arith.constant 0 : i32
      %dma_wait3A_42 = tpu.memref_slice %arg6[%dma_wait3A, %dma_wait3A_40, %dma_wait3A_41] : memref<2x104x256xf32, #tpu.memory_space<vmem>> -> memref<1x104x256xf32, #tpu.memory_space<vmem>>
      %dma_wait3A_43 = tpu.memref_squeeze %dma_wait3A_42 : memref<1x104x256xf32, #tpu.memory_space<vmem>> -> memref<104x256xf32, #tpu.memory_space<vmem>>
      %dma_wait3A_44 = tpu.memref_slice %arg5[%multiple_of3A_39] : memref<25600xi32, #tpu.memory_space<vmem>> -> memref<104xi32, #tpu.memory_space<vmem>>
      %dma_wait3A_45 = arith.constant 0 : i32
      %dma_wait3A_46 = arith.constant 0 : i32
      %dma_wait3A_47 = tpu.memref_slice %arg3[%dma_wait3A_45, %dma_wait3A_46] : memref<100000x256xf32, #tpu.memory_space<hbm>> -> memref<100000x256xf32, #tpu.memory_space<hbm>>
      tpu.wait_indirect_dma semaphore(%arg8 : memref<!tpu.dma_semaphore, #tpu.memory_space<semaphore_mem>>) src(%dma_wait3A_47 : memref<100000x256xf32, #tpu.memory_space<hbm>>) dst(%dma_wait3A_43 : memref<104x256xf32, #tpu.memory_space<vmem>>)
      %broadcast_in_dim3A = arith.constant 0.000000e+00 : f32
      %broadcast_in_dim3A_48 = vector.broadcast %broadcast_in_dim3A : f32 to vector<16xf32>
      %scan3A_49 = arith.constant 0 : i32
      %scan3A_50 = arith.constant 52 : i32
      %scan3A_51 = arith.addi %scan3A_49, %scan3A_50 : i32
      %scan3A_52 = arith.constant 1 : i32
      %scan3A_53:20 = scf.for %scan3A_122 = %scan3A_49 to %scan3A_51 step %scan3A_52 iter_args(%scan3A_123 = %broadcast_in_dim3A_48, %scan3A_124 = %broadcast_in_dim3A_48, %scan3A_125 = %broadcast_in_dim3A_48, %scan3A_126 = %broadcast_in_dim3A_48, %scan3A_127 = %broadcast_in_dim3A_48, %scan3A_128 = %broadcast_in_dim3A_48, %scan3A_129 = %broadcast_in_dim3A_48, %scan3A_130 = %broadcast_in_dim3A_48, %scan3A_131 = %broadcast_in_dim3A_48, %scan3A_132 = %broadcast_in_dim3A_48, %scan3A_133 = %broadcast_in_dim3A_48, %scan3A_134 = %broadcast_in_dim3A_48, %scan3A_135 = %broadcast_in_dim3A_48, %scan3A_136 = %broadcast_in_dim3A_48, %scan3A_137 = %broadcast_in_dim3A_48, %scan3A_138 = %broadcast_in_dim3A_48, %scan3A_139 = %broadcast_in_dim3A_48, %scan3A_140 = %broadcast_in_dim3A_48, %scan3A_141 = %broadcast_in_dim3A_48, %scan3A_142 = %broadcast_in_dim3A_48) -> (vector<16xf32>, vector<16xf32>, vector<16xf32>, vector<16xf32>, vector<16xf32>, vector<16xf32>, vector<16xf32>, vector<16xf32>, vector<16xf32>, vector<16xf32>, vector<16xf32>, vector<16xf32>, vector<16xf32>, vector<16xf32>, vector<16xf32>, vector<16xf32>, vector<16xf32>, vector<16xf32>, vector<16xf32>, vector<16xf32>)  : i32 {
        %mul3A_143 = arith.constant 2 : i32
        %mul3A_144 = arith.muli %mul3A_143, %scan3A_122 : i32
        %mul3A_145 = arith.constant 2 : i32
        %mul3A_146 = arith.muli %mul3A_145, %scan3A_122 : i32
        %add3A_147 = arith.constant 1 : i32
        %add3A_148 = arith.addi %mul3A_146, %add3A_147 : i32
        %get3A = arith.constant 0 : i32
        %get3A_149 = arith.index_cast %get3A : i32 to index
        %get3A_150 = arith.index_cast %mul3A_144 : i32 to index
        %get3A_151 = arith.constant 0 : index
        %get3A_152 = tpu.vector_load %arg6[%get3A_149, %get3A_150, %get3A_151] {strides = array<i32>} : memref<2x104x256xf32, #tpu.memory_space<vmem>>, vector<16xf32>,
        %bitcast3A = vector.bitcast %get3A_152 : vector<16xf32> to vector<32xbf16>
        %unpack3A = tpu.unpack_subelements %bitcast3A, 0 {pack_format = #tpu.pack_format<interleaved>} : vector<32xbf16> -> vector<16xf32>
        %unpack3A_153 = tpu.unpack_subelements %bitcast3A, 1 {pack_format = #tpu.pack_format<interleaved>} : vector<32xbf16> -> vector<16xf32>
        %add3A_154 = arith.addf %scan3A_123, %unpack3A : vector<16xf32>
        %add3A_155 = arith.addf %scan3A_133, %unpack3A_153 : vector<16xf32>
        %get3A_156 = arith.constant 0 : i32
        %get3A_157 = arith.index_cast %get3A_156 : i32 to index
        %get3A_158 = arith.index_cast %mul3A_144 : i32 to index
        %get3A_159 = arith.constant 16 : index
        %get3A_160 = tpu.vector_load %arg6[%get3A_157, %get3A_158, %get3A_159] {strides = array<i32>} : memref<2x104x256xf32, #tpu.memory_space<vmem>>, vector<16xf32>,
        %bitcast3A_161 = vector.bitcast %get3A_160 : vector<16xf32> to vector<32xbf16>
        %unpack3A_162 = tpu.unpack_subelements %bitcast3A_161, 0 {pack_format = #tpu.pack_format<interleaved>} : vector<32xbf16> -> vector<16xf32>
        %unpack3A_163 = tpu.unpack_subelements %bitcast3A_161, 1 {pack_format = #tpu.pack_format<interleaved>} : vector<32xbf16> -> vector<16xf32>
        %add3A_164 = arith.addf %scan3A_124, %unpack3A_162 : vector<16xf32>
        %add3A_165 = arith.addf %scan3A_134, %unpack3A_163 : vector<16xf32>
        %get3A_166 = arith.constant 0 : i32
        %get3A_167 = arith.index_cast %get3A_166 : i32 to index
        %get3A_168 = arith.index_cast %mul3A_144 : i32 to index
        %get3A_169 = arith.constant 32 : index
        %get3A_170 = tpu.vector_load %arg6[%get3A_167, %get3A_168, %get3A_169] {strides = array<i32>} : memref<2x104x256xf32, #tpu.memory_space<vmem>>, vector<16xf32>,
        %bitcast3A_171 = vector.bitcast %get3A_170 : vector<16xf32> to vector<32xbf16>
        %unpack3A_172 = tpu.unpack_subelements %bitcast3A_171, 0 {pack_format = #tpu.pack_format<interleaved>} : vector<32xbf16> -> vector<16xf32>
        %unpack3A_173 = tpu.unpack_subelements %bitcast3A_171, 1 {pack_format = #tpu.pack_format<interleaved>} : vector<32xbf16> -> vector<16xf32>
        %add3A_174 = arith.addf %scan3A_125, %unpack3A_172 : vector<16xf32>
        %add3A_175 = arith.addf %scan3A_135, %unpack3A_173 : vector<16xf32>
        %get3A_176 = arith.constant 0 : i32
        %get3A_177 = arith.index_cast %get3A_176 : i32 to index
        %get3A_178 = arith.index_cast %mul3A_144 : i32 to index
        %get3A_179 = arith.constant 48 : index
        %get3A_180 = tpu.vector_load %arg6[%get3A_177, %get3A_178, %get3A_179] {strides = array<i32>} : memref<2x104x256xf32, #tpu.memory_space<vmem>>, vector<16xf32>,
        %bitcast3A_181 = vector.bitcast %get3A_180 : vector<16xf32> to vector<32xbf16>
        %unpack3A_182 = tpu.unpack_subelements %bitcast3A_181, 0 {pack_format = #tpu.pack_format<interleaved>} : vector<32xbf16> -> vector<16xf32>
        %unpack3A_183 = tpu.unpack_subelements %bitcast3A_181, 1 {pack_format = #tpu.pack_format<interleaved>} : vector<32xbf16> -> vector<16xf32>
        %add3A_184 = arith.addf %scan3A_126, %unpack3A_182 : vector<16xf32>
        %add3A_185 = arith.addf %scan3A_136, %unpack3A_183 : vector<16xf32>
        %get3A_186 = arith.constant 0 : i32
        %get3A_187 = arith.index_cast %get3A_186 : i32 to index
        %get3A_188 = arith.index_cast %mul3A_144 : i32 to index
        %get3A_189 = arith.constant 64 : index
        %get3A_190 = tpu.vector_load %arg6[%get3A_187, %get3A_188, %get3A_189] {strides = array<i32>} : memref<2x104x256xf32, #tpu.memory_space<vmem>>, vector<16xf32>,
        %bitcast3A_191 = vector.bitcast %get3A_190 : vector<16xf32> to vector<32xbf16>
        %unpack3A_192 = tpu.unpack_subelements %bitcast3A_191, 0 {pack_format = #tpu.pack_format<interleaved>} : vector<32xbf16> -> vector<16xf32>
        %unpack3A_193 = tpu.unpack_subelements %bitcast3A_191, 1 {pack_format = #tpu.pack_format<interleaved>} : vector<32xbf16> -> vector<16xf32>
        %add3A_194 = arith.addf %scan3A_127, %unpack3A_192 : vector<16xf32>
        %add3A_195 = arith.addf %scan3A_137, %unpack3A_193 : vector<16xf32>
        %get3A_196 = arith.constant 0 : i32
        %get3A_197 = arith.index_cast %get3A_196 : i32 to index
        %get3A_198 = arith.index_cast %mul3A_144 : i32 to index
        %get3A_199 = arith.constant 80 : index
        %get3A_200 = tpu.vector_load %arg6[%get3A_197, %get3A_198, %get3A_199] {strides = array<i32>} : memref<2x104x256xf32, #tpu.memory_space<vmem>>, vector<16xf32>,
        %bitcast3A_201 = vector.bitcast %get3A_200 : vector<16xf32> to vector<32xbf16>
        %unpack3A_202 = tpu.unpack_subelements %bitcast3A_201, 0 {pack_format = #tpu.pack_format<interleaved>} : vector<32xbf16> -> vector<16xf32>
        %unpack3A_203 = tpu.unpack_subelements %bitcast3A_201, 1 {pack_format = #tpu.pack_format<interleaved>} : vector<32xbf16> -> vector<16xf32>
        %add3A_204 = arith.addf %scan3A_128, %unpack3A_202 : vector<16xf32>
        %add3A_205 = arith.addf %scan3A_138, %unpack3A_203 : vector<16xf32>
        %get3A_206 = arith.constant 0 : i32
        %get3A_207 = arith.index_cast %get3A_206 : i32 to index
        %get3A_208 = arith.index_cast %mul3A_144 : i32 to index
        %get3A_209 = arith.constant 96 : index
        %get3A_210 = tpu.vector_load %arg6[%get3A_207, %get3A_208, %get3A_209] {strides = array<i32>} : memref<2x104x256xf32, #tpu.memory_space<vmem>>, vector<16xf32>,
        %bitcast3A_211 = vector.bitcast %get3A_210 : vector<16xf32> to vector<32xbf16>
        %unpack3A_212 = tpu.unpack_subelements %bitcast3A_211, 0 {pack_format = #tpu.pack_format<interleaved>} : vector<32xbf16> -> vector<16xf32>
        %unpack3A_213 = tpu.unpack_subelements %bitcast3A_211, 1 {pack_format = #tpu.pack_format<interleaved>} : vector<32xbf16> -> vector<16xf32>
        %add3A_214 = arith.addf %scan3A_129, %unpack3A_212 : vector<16xf32>
        %add3A_215 = arith.addf %scan3A_139, %unpack3A_213 : vector<16xf32>
        %get3A_216 = arith.constant 0 : i32
        %get3A_217 = arith.index_cast %get3A_216 : i32 to index
        %get3A_218 = arith.index_cast %mul3A_144 : i32 to index
        %get3A_219 = arith.constant 112 : index
        %get3A_220 = tpu.vector_load %arg6[%get3A_217, %get3A_218, %get3A_219] {strides = array<i32>} : memref<2x104x256xf32, #tpu.memory_space<vmem>>, vector<16xf32>,
        %bitcast3A_221 = vector.bitcast %get3A_220 : vector<16xf32> to vector<32xbf16>
        %unpack3A_222 = tpu.unpack_subelements %bitcast3A_221, 0 {pack_format = #tpu.pack_format<interleaved>} : vector<32xbf16> -> vector<16xf32>
        %unpack3A_223 = tpu.unpack_subelements %bitcast3A_221, 1 {pack_format = #tpu.pack_format<interleaved>} : vector<32xbf16> -> vector<16xf32>
        %add3A_224 = arith.addf %scan3A_130, %unpack3A_222 : vector<16xf32>
        %add3A_225 = arith.addf %scan3A_140, %unpack3A_223 : vector<16xf32>
        %get3A_226 = arith.constant 0 : i32
        %get3A_227 = arith.index_cast %get3A_226 : i32 to index
        %get3A_228 = arith.index_cast %mul3A_144 : i32 to index
        %get3A_229 = arith.constant 128 : index
        %get3A_230 = tpu.vector_load %arg6[%get3A_227, %get3A_228, %get3A_229] {strides = array<i32>} : memref<2x104x256xf32, #tpu.memory_space<vmem>>, vector<16xf32>,
        %bitcast3A_231 = vector.bitcast %get3A_230 : vector<16xf32> to vector<32xbf16>
        %unpack3A_232 = tpu.unpack_subelements %bitcast3A_231, 0 {pack_format = #tpu.pack_format<interleaved>} : vector<32xbf16> -> vector<16xf32>
        %unpack3A_233 = tpu.unpack_subelements %bitcast3A_231, 1 {pack_format = #tpu.pack_format<interleaved>} : vector<32xbf16> -> vector<16xf32>
        %add3A_234 = arith.addf %scan3A_131, %unpack3A_232 : vector<16xf32>
        %add3A_235 = arith.addf %scan3A_141, %unpack3A_233 : vector<16xf32>
        %get3A_236 = arith.constant 0 : i32
        %get3A_237 = arith.index_cast %get3A_236 : i32 to index
        %get3A_238 = arith.index_cast %mul3A_144 : i32 to index
        %get3A_239 = arith.constant 144 : index
        %get3A_240 = tpu.vector_load %arg6[%get3A_237, %get3A_238, %get3A_239] {strides = array<i32>} : memref<2x104x256xf32, #tpu.memory_space<vmem>>, vector<16xf32>,
        %bitcast3A_241 = vector.bitcast %get3A_240 : vector<16xf32> to vector<32xbf16>
        %unpack3A_242 = tpu.unpack_subelements %bitcast3A_241, 0 {pack_format = #tpu.pack_format<interleaved>} : vector<32xbf16> -> vector<16xf32>
        %unpack3A_243 = tpu.unpack_subelements %bitcast3A_241, 1 {pack_format = #tpu.pack_format<interleaved>} : vector<32xbf16> -> vector<16xf32>
        %add3A_244 = arith.addf %scan3A_132, %unpack3A_242 : vector<16xf32>
        %add3A_245 = arith.addf %scan3A_142, %unpack3A_243 : vector<16xf32>
        %get3A_246 = arith.constant 0 : i32
        %get3A_247 = arith.index_cast %get3A_246 : i32 to index
        %get3A_248 = arith.index_cast %add3A_148 : i32 to index
        %get3A_249 = arith.constant 0 : index
        %get3A_250 = tpu.vector_load %arg6[%get3A_247, %get3A_248, %get3A_249] {strides = array<i32>} : memref<2x104x256xf32, #tpu.memory_space<vmem>>, vector<16xf32>,
        %bitcast3A_251 = vector.bitcast %get3A_250 : vector<16xf32> to vector<32xbf16>
        %unpack3A_252 = tpu.unpack_subelements %bitcast3A_251, 0 {pack_format = #tpu.pack_format<interleaved>} : vector<32xbf16> -> vector<16xf32>
        %unpack3A_253 = tpu.unpack_subelements %bitcast3A_251, 1 {pack_format = #tpu.pack_format<interleaved>} : vector<32xbf16> -> vector<16xf32>
        %add3A_254 = arith.addf %add3A_154, %unpack3A_252 : vector<16xf32>
        %add3A_255 = arith.addf %add3A_155, %unpack3A_253 : vector<16xf32>
        %get3A_256 = arith.constant 0 : i32
        %get3A_257 = arith.index_cast %get3A_256 : i32 to index
        %get3A_258 = arith.index_cast %add3A_148 : i32 to index
        %get3A_259 = arith.constant 16 : index
        %get3A_260 = tpu.vector_load %arg6[%get3A_257, %get3A_258, %get3A_259] {strides = array<i32>} : memref<2x104x256xf32, #tpu.memory_space<vmem>>, vector<16xf32>,
        %bitcast3A_261 = vector.bitcast %get3A_260 : vector<16xf32> to vector<32xbf16>
        %unpack3A_262 = tpu.unpack_subelements %bitcast3A_261, 0 {pack_format = #tpu.pack_format<interleaved>} : vector<32xbf16> -> vector<16xf32>
        %unpack3A_263 = tpu.unpack_subelements %bitcast3A_261, 1 {pack_format = #tpu.pack_format<interleaved>} : vector<32xbf16> -> vector<16xf32>
        %add3A_264 = arith.addf %add3A_164, %unpack3A_262 : vector<16xf32>
        %add3A_265 = arith.addf %add3A_165, %unpack3A_263 : vector<16xf32>
        %get3A_266 = arith.constant 0 : i32
        %get3A_267 = arith.index_cast %get3A_266 : i32 to index
        %get3A_268 = arith.index_cast %add3A_148 : i32 to index
        %get3A_269 = arith.constant 32 : index
        %get3A_270 = tpu.vector_load %arg6[%get3A_267, %get3A_268, %get3A_269] {strides = array<i32>} : memref<2x104x256xf32, #tpu.memory_space<vmem>>, vector<16xf32>,
        %bitcast3A_271 = vector.bitcast %get3A_270 : vector<16xf32> to vector<32xbf16>
        %unpack3A_272 = tpu.unpack_subelements %bitcast3A_271, 0 {pack_format = #tpu.pack_format<interleaved>} : vector<32xbf16> -> vector<16xf32>
        %unpack3A_273 = tpu.unpack_subelements %bitcast3A_271, 1 {pack_format = #tpu.pack_format<interleaved>} : vector<32xbf16> -> vector<16xf32>
        %add3A_274 = arith.addf %add3A_174, %unpack3A_272 : vector<16xf32>
        %add3A_275 = arith.addf %add3A_175, %unpack3A_273 : vector<16xf32>
        %get3A_276 = arith.constant 0 : i32
        %get3A_277 = arith.index_cast %get3A_276 : i32 to index
        %get3A_278 = arith.index_cast %add3A_148 : i32 to index
        %get3A_279 = arith.constant 48 : index
        %get3A_280 = tpu.vector_load %arg6[%get3A_277, %get3A_278, %get3A_279] {strides = array<i32>} : memref<2x104x256xf32, #tpu.memory_space<vmem>>, vector<16xf32>,
        %bitcast3A_281 = vector.bitcast %get3A_280 : vector<16xf32> to vector<32xbf16>
        %unpack3A_282 = tpu.unpack_subelements %bitcast3A_281, 0 {pack_format = #tpu.pack_format<interleaved>} : vector<32xbf16> -> vector<16xf32>
        %unpack3A_283 = tpu.unpack_subelements %bitcast3A_281, 1 {pack_format = #tpu.pack_format<interleaved>} : vector<32xbf16> -> vector<16xf32>
        %add3A_284 = arith.addf %add3A_184, %unpack3A_282 : vector<16xf32>
        %add3A_285 = arith.addf %add3A_185, %unpack3A_283 : vector<16xf32>
        %get3A_286 = arith.constant 0 : i32
        %get3A_287 = arith.index_cast %get3A_286 : i32 to index
        %get3A_288 = arith.index_cast %add3A_148 : i32 to index
        %get3A_289 = arith.constant 64 : index
        %get3A_290 = tpu.vector_load %arg6[%get3A_287, %get3A_288, %get3A_289] {strides = array<i32>} : memref<2x104x256xf32, #tpu.memory_space<vmem>>, vector<16xf32>,
        %bitcast3A_291 = vector.bitcast %get3A_290 : vector<16xf32> to vector<32xbf16>
        %unpack3A_292 = tpu.unpack_subelements %bitcast3A_291, 0 {pack_format = #tpu.pack_format<interleaved>} : vector<32xbf16> -> vector<16xf32>
        %unpack3A_293 = tpu.unpack_subelements %bitcast3A_291, 1 {pack_format = #tpu.pack_format<interleaved>} : vector<32xbf16> -> vector<16xf32>
        %add3A_294 = arith.addf %add3A_194, %unpack3A_292 : vector<16xf32>
        %add3A_295 = arith.addf %add3A_195, %unpack3A_293 : vector<16xf32>
        %get3A_296 = arith.constant 0 : i32
        %get3A_297 = arith.index_cast %get3A_296 : i32 to index
        %get3A_298 = arith.index_cast %add3A_148 : i32 to index
        %get3A_299 = arith.constant 80 : index
        %get3A_300 = tpu.vector_load %arg6[%get3A_297, %get3A_298, %get3A_299] {strides = array<i32>} : memref<2x104x256xf32, #tpu.memory_space<vmem>>, vector<16xf32>,
        %bitcast3A_301 = vector.bitcast %get3A_300 : vector<16xf32> to vector<32xbf16>
        %unpack3A_302 = tpu.unpack_subelements %bitcast3A_301, 0 {pack_format = #tpu.pack_format<interleaved>} : vector<32xbf16> -> vector<16xf32>
        %unpack3A_303 = tpu.unpack_subelements %bitcast3A_301, 1 {pack_format = #tpu.pack_format<interleaved>} : vector<32xbf16> -> vector<16xf32>
        %add3A_304 = arith.addf %add3A_204, %unpack3A_302 : vector<16xf32>
        %add3A_305 = arith.addf %add3A_205, %unpack3A_303 : vector<16xf32>
        %get3A_306 = arith.constant 0 : i32
        %get3A_307 = arith.index_cast %get3A_306 : i32 to index
        %get3A_308 = arith.index_cast %add3A_148 : i32 to index
        %get3A_309 = arith.constant 96 : index
        %get3A_310 = tpu.vector_load %arg6[%get3A_307, %get3A_308, %get3A_309] {strides = array<i32>} : memref<2x104x256xf32, #tpu.memory_space<vmem>>, vector<16xf32>,
        %bitcast3A_311 = vector.bitcast %get3A_310 : vector<16xf32> to vector<32xbf16>
        %unpack3A_312 = tpu.unpack_subelements %bitcast3A_311, 0 {pack_format = #tpu.pack_format<interleaved>} : vector<32xbf16> -> vector<16xf32>
        %unpack3A_313 = tpu.unpack_subelements %bitcast3A_311, 1 {pack_format = #tpu.pack_format<interleaved>} : vector<32xbf16> -> vector<16xf32>
        %add3A_314 = arith.addf %add3A_214, %unpack3A_312 : vector<16xf32>
        %add3A_315 = arith.addf %add3A_215, %unpack3A_313 : vector<16xf32>
        %get3A_316 = arith.constant 0 : i32
        %get3A_317 = arith.index_cast %get3A_316 : i32 to index
        %get3A_318 = arith.index_cast %add3A_148 : i32 to index
        %get3A_319 = arith.constant 112 : index
        %get3A_320 = tpu.vector_load %arg6[%get3A_317, %get3A_318, %get3A_319] {strides = array<i32>} : memref<2x104x256xf32, #tpu.memory_space<vmem>>, vector<16xf32>,
        %bitcast3A_321 = vector.bitcast %get3A_320 : vector<16xf32> to vector<32xbf16>
        %unpack3A_322 = tpu.unpack_subelements %bitcast3A_321, 0 {pack_format = #tpu.pack_format<interleaved>} : vector<32xbf16> -> vector<16xf32>
        %unpack3A_323 = tpu.unpack_subelements %bitcast3A_321, 1 {pack_format = #tpu.pack_format<interleaved>} : vector<32xbf16> -> vector<16xf32>
        %add3A_324 = arith.addf %add3A_224, %unpack3A_322 : vector<16xf32>
        %add3A_325 = arith.addf %add3A_225, %unpack3A_323 : vector<16xf32>
        %get3A_326 = arith.constant 0 : i32
        %get3A_327 = arith.index_cast %get3A_326 : i32 to index
        %get3A_328 = arith.index_cast %add3A_148 : i32 to index
        %get3A_329 = arith.constant 128 : index
        %get3A_330 = tpu.vector_load %arg6[%get3A_327, %get3A_328, %get3A_329] {strides = array<i32>} : memref<2x104x256xf32, #tpu.memory_space<vmem>>, vector<16xf32>,
        %bitcast3A_331 = vector.bitcast %get3A_330 : vector<16xf32> to vector<32xbf16>
        %unpack3A_332 = tpu.unpack_subelements %bitcast3A_331, 0 {pack_format = #tpu.pack_format<interleaved>} : vector<32xbf16> -> vector<16xf32>
        %unpack3A_333 = tpu.unpack_subelements %bitcast3A_331, 1 {pack_format = #tpu.pack_format<interleaved>} : vector<32xbf16> -> vector<16xf32>
        %add3A_334 = arith.addf %add3A_234, %unpack3A_332 : vector<16xf32>
        %add3A_335 = arith.addf %add3A_235, %unpack3A_333 : vector<16xf32>
        %get3A_336 = arith.constant 0 : i32
        %get3A_337 = arith.index_cast %get3A_336 : i32 to index
        %get3A_338 = arith.index_cast %add3A_148 : i32 to index
        %get3A_339 = arith.constant 144 : index
        %get3A_340 = tpu.vector_load %arg6[%get3A_337, %get3A_338, %get3A_339] {strides = array<i32>} : memref<2x104x256xf32, #tpu.memory_space<vmem>>, vector<16xf32>,
        %bitcast3A_341 = vector.bitcast %get3A_340 : vector<16xf32> to vector<32xbf16>
        %unpack3A_342 = tpu.unpack_subelements %bitcast3A_341, 0 {pack_format = #tpu.pack_format<interleaved>} : vector<32xbf16> -> vector<16xf32>
        %unpack3A_343 = tpu.unpack_subelements %bitcast3A_341, 1 {pack_format = #tpu.pack_format<interleaved>} : vector<32xbf16> -> vector<16xf32>
        %add3A_344 = arith.addf %add3A_244, %unpack3A_342 : vector<16xf32>
        %add3A_345 = arith.addf %add3A_245, %unpack3A_343 : vector<16xf32>
        scf.yield %add3A_254, %add3A_264, %add3A_274, %add3A_284, %add3A_294, %add3A_304, %add3A_314, %add3A_324, %add3A_334, %add3A_344, %add3A_255, %add3A_265, %add3A_275, %add3A_285, %add3A_295, %add3A_305, %add3A_315, %add3A_325, %add3A_335, %add3A_345 : vector<16xf32>, vector<16xf32>, vector<16xf32>, vector<16xf32>, vector<16xf32>, vector<16xf32>, vector<16xf32>, vector<16xf32>, vector<16xf32>, vector<16xf32>, vector<16xf32>, vector<16xf32>, vector<16xf32>, vector<16xf32>, vector<16xf32>, vector<16xf32>, vector<16xf32>, vector<16xf32>, vector<16xf32>, vector<16xf32>
      }
      %scan3A_54 = arith.constant 52 : i32
      %add3A_55 = arith.constant 1 : i32
      %add3A_56 = arith.addi %scan3A_20, %add3A_55 : i32
      %lt3A = arith.constant 128 : i32
      %lt3A_57 = arith.cmpi slt, %add3A_56, %lt3A : i32
      %convert_element_type3A = arith.extui %lt3A_57 : i1 to i32
      %cond3A = arith.constant 0 : i32
      %cond3A_58 = arith.cmpi ne, %convert_element_type3A, %cond3A : i32
      scf.if %cond3A_58 {
        %add3A_122 = arith.constant 1 : i32
        %add3A_123 = arith.addi %scan3A_20, %add3A_122 : i32
        %mul3A_124 = arith.constant 200 : i32
        %mul3A_125 = arith.muli %add3A_123, %mul3A_124 : i32
        %add3A_126 = arith.constant 0 : i32
        %add3A_127 = arith.addi %mul3A_125, %add3A_126 : i32
        %multiple_of3A_128 = tpu.assume_multiple %add3A_127, 8 : i32
        %dma_start3A_129 = arith.constant 0 : i32
        %dma_start3A_130 = arith.constant 0 : i32
        %dma_start3A_131 = arith.constant 0 : i32
        %dma_start3A_132 = tpu.memref_slice %arg6[%dma_start3A_129, %dma_start3A_130, %dma_start3A_131] : memref<2x104x256xf32, #tpu.memory_space<vmem>> -> memref<1x104x256xf32, #tpu.memory_space<vmem>>
        %dma_start3A_133 = tpu.memref_squeeze %dma_start3A_132 : memref<1x104x256xf32, #tpu.memory_space<vmem>> -> memref<104x256xf32, #tpu.memory_space<vmem>>
        %dma_start3A_134 = tpu.memref_slice %arg5[%multiple_of3A_128] : memref<25600xi32, #tpu.memory_space<vmem>> -> memref<104xi32, #tpu.memory_space<vmem>>
        %dma_start3A_135 = arith.constant 0 : i32
        %dma_start3A_136 = arith.constant 0 : i32
        %dma_start3A_137 = tpu.memref_slice %arg3[%dma_start3A_135, %dma_start3A_136] : memref<100000x256xf32, #tpu.memory_space<hbm>> -> memref<100000x256xf32, #tpu.memory_space<hbm>>
        tpu.enqueue_indirect_dma source(%dma_start3A_137 : memref<100000x256xf32, #tpu.memory_space<hbm>>) target(%dma_start3A_133 : memref<104x256xf32, #tpu.memory_space<vmem>>) offsets(%dma_start3A_134 : memref<104xi32, #tpu.memory_space<vmem>>) semaphore(%arg8 : memref<!tpu.dma_semaphore, #tpu.memory_space<semaphore_mem>>)
      } else {
      }
      %mul3A_59 = arith.constant 200 : i32
      %mul3A_60 = arith.muli %scan3A_20, %mul3A_59 : i32
      %add3A_61 = arith.constant 104 : i32
      %add3A_62 = arith.addi %mul3A_60, %add3A_61 : i32
      %multiple_of3A_63 = tpu.assume_multiple %add3A_62, 8 : i32
      %dma_wait3A_64 = arith.constant 1 : i32
      %dma_wait3A_65 = arith.constant 0 : i32
      %dma_wait3A_66 = arith.constant 0 : i32
      %dma_wait3A_67 = tpu.memref_slice %arg6[%dma_wait3A_64, %dma_wait3A_65, %dma_wait3A_66] : memref<2x104x256xf32, #tpu.memory_space<vmem>> -> memref<1x96x256xf32, #tpu.memory_space<vmem>>
      %dma_wait3A_68 = tpu.memref_squeeze %dma_wait3A_67 : memref<1x96x256xf32, #tpu.memory_space<vmem>> -> memref<96x256xf32, #tpu.memory_space<vmem>>
      %dma_wait3A_69 = tpu.memref_slice %arg5[%multiple_of3A_63] : memref<25600xi32, #tpu.memory_space<vmem>> -> memref<96xi32, #tpu.memory_space<vmem>>
      %dma_wait3A_70 = arith.constant 0 : i32
      %dma_wait3A_71 = arith.constant 0 : i32
      %dma_wait3A_72 = tpu.memref_slice %arg3[%dma_wait3A_70, %dma_wait3A_71] : memref<100000x256xf32, #tpu.memory_space<hbm>> -> memref<100000x256xf32, #tpu.memory_space<hbm>>
      tpu.wait_indirect_dma semaphore(%arg9 : memref<!tpu.dma_semaphore, #tpu.memory_space<semaphore_mem>>) src(%dma_wait3A_72 : memref<100000x256xf32, #tpu.memory_space<hbm>>) dst(%dma_wait3A_68 : memref<96x256xf32, #tpu.memory_space<vmem>>)
      %scan3A_73 = arith.constant 0 : i32
      %scan3A_74 = arith.constant 48 : i32
      %scan3A_75 = arith.addi %scan3A_73, %scan3A_74 : i32
      %scan3A_76 = arith.constant 1 : i32
      %scan3A_77:20 = scf.for %scan3A_122 = %scan3A_73 to %scan3A_75 step %scan3A_76 iter_args(%scan3A_123 = %scan3A_53#0, %scan3A_124 = %scan3A_53#1, %scan3A_125 = %scan3A_53#2, %scan3A_126 = %scan3A_53#3, %scan3A_127 = %scan3A_53#4, %scan3A_128 = %scan3A_53#5, %scan3A_129 = %scan3A_53#6, %scan3A_130 = %scan3A_53#7, %scan3A_131 = %scan3A_53#8, %scan3A_132 = %scan3A_53#9, %scan3A_133 = %scan3A_53#10, %scan3A_134 = %scan3A_53#11, %scan3A_135 = %scan3A_53#12, %scan3A_136 = %scan3A_53#13, %scan3A_137 = %scan3A_53#14, %scan3A_138 = %scan3A_53#15, %scan3A_139 = %scan3A_53#16, %scan3A_140 = %scan3A_53#17, %scan3A_141 = %scan3A_53#18, %scan3A_142 = %scan3A_53#19) -> (vector<16xf32>, vector<16xf32>, vector<16xf32>, vector<16xf32>, vector<16xf32>, vector<16xf32>, vector<16xf32>, vector<16xf32>, vector<16xf32>, vector<16xf32>, vector<16xf32>, vector<16xf32>, vector<16xf32>, vector<16xf32>, vector<16xf32>, vector<16xf32>, vector<16xf32>, vector<16xf32>, vector<16xf32>, vector<16xf32>)  : i32 {
        %mul3A_143 = arith.constant 2 : i32
        %mul3A_144 = arith.muli %mul3A_143, %scan3A_122 : i32
        %mul3A_145 = arith.constant 2 : i32
        %mul3A_146 = arith.muli %mul3A_145, %scan3A_122 : i32
        %add3A_147 = arith.constant 1 : i32
        %add3A_148 = arith.addi %mul3A_146, %add3A_147 : i32
        %get3A = arith.constant 1 : i32
        %get3A_149 = arith.index_cast %get3A : i32 to index
        %get3A_150 = arith.index_cast %mul3A_144 : i32 to index
        %get3A_151 = arith.constant 0 : index
        %get3A_152 = tpu.vector_load %arg6[%get3A_149, %get3A_150, %get3A_151] {strides = array<i32>} : memref<2x104x256xf32, #tpu.memory_space<vmem>>, vector<16xf32>,
        %bitcast3A = vector.bitcast %get3A_152 : vector<16xf32> to vector<32xbf16>
        %unpack3A = tpu.unpack_subelements %bitcast3A, 0 {pack_format = #tpu.pack_format<interleaved>} : vector<32xbf16> -> vector<16xf32>
        %unpack3A_153 = tpu.unpack_subelements %bitcast3A, 1 {pack_format = #tpu.pack_format<interleaved>} : vector<32xbf16> -> vector<16xf32>
        %add3A_154 = arith.addf %scan3A_123, %unpack3A : vector<16xf32>
        %add3A_155 = arith.addf %scan3A_133, %unpack3A_153 : vector<16xf32>
        %get3A_156 = arith.constant 1 : i32
        %get3A_157 = arith.index_cast %get3A_156 : i32 to index
        %get3A_158 = arith.index_cast %mul3A_144 : i32 to index
        %get3A_159 = arith.constant 16 : index
        %get3A_160 = tpu.vector_load %arg6[%get3A_157, %get3A_158, %get3A_159] {strides = array<i32>} : memref<2x104x256xf32, #tpu.memory_space<vmem>>, vector<16xf32>,
        %bitcast3A_161 = vector.bitcast %get3A_160 : vector<16xf32> to vector<32xbf16>
        %unpack3A_162 = tpu.unpack_subelements %bitcast3A_161, 0 {pack_format = #tpu.pack_format<interleaved>} : vector<32xbf16> -> vector<16xf32>
        %unpack3A_163 = tpu.unpack_subelements %bitcast3A_161, 1 {pack_format = #tpu.pack_format<interleaved>} : vector<32xbf16> -> vector<16xf32>
        %add3A_164 = arith.addf %scan3A_124, %unpack3A_162 : vector<16xf32>
        %add3A_165 = arith.addf %scan3A_134, %unpack3A_163 : vector<16xf32>
        %get3A_166 = arith.constant 1 : i32
        %get3A_167 = arith.index_cast %get3A_166 : i32 to index
        %get3A_168 = arith.index_cast %mul3A_144 : i32 to index
        %get3A_169 = arith.constant 32 : index
        %get3A_170 = tpu.vector_load %arg6[%get3A_167, %get3A_168, %get3A_169] {strides = array<i32>} : memref<2x104x256xf32, #tpu.memory_space<vmem>>, vector<16xf32>,
        %bitcast3A_171 = vector.bitcast %get3A_170 : vector<16xf32> to vector<32xbf16>
        %unpack3A_172 = tpu.unpack_subelements %bitcast3A_171, 0 {pack_format = #tpu.pack_format<interleaved>} : vector<32xbf16> -> vector<16xf32>
        %unpack3A_173 = tpu.unpack_subelements %bitcast3A_171, 1 {pack_format = #tpu.pack_format<interleaved>} : vector<32xbf16> -> vector<16xf32>
        %add3A_174 = arith.addf %scan3A_125, %unpack3A_172 : vector<16xf32>
        %add3A_175 = arith.addf %scan3A_135, %unpack3A_173 : vector<16xf32>
        %get3A_176 = arith.constant 1 : i32
        %get3A_177 = arith.index_cast %get3A_176 : i32 to index
        %get3A_178 = arith.index_cast %mul3A_144 : i32 to index
        %get3A_179 = arith.constant 48 : index
        %get3A_180 = tpu.vector_load %arg6[%get3A_177, %get3A_178, %get3A_179] {strides = array<i32>} : memref<2x104x256xf32, #tpu.memory_space<vmem>>, vector<16xf32>,
        %bitcast3A_181 = vector.bitcast %get3A_180 : vector<16xf32> to vector<32xbf16>
        %unpack3A_182 = tpu.unpack_subelements %bitcast3A_181, 0 {pack_format = #tpu.pack_format<interleaved>} : vector<32xbf16> -> vector<16xf32>
        %unpack3A_183 = tpu.unpack_subelements %bitcast3A_181, 1 {pack_format = #tpu.pack_format<interleaved>} : vector<32xbf16> -> vector<16xf32>
        %add3A_184 = arith.addf %scan3A_126, %unpack3A_182 : vector<16xf32>
        %add3A_185 = arith.addf %scan3A_136, %unpack3A_183 : vector<16xf32>
        %get3A_186 = arith.constant 1 : i32
        %get3A_187 = arith.index_cast %get3A_186 : i32 to index
        %get3A_188 = arith.index_cast %mul3A_144 : i32 to index
        %get3A_189 = arith.constant 64 : index
        %get3A_190 = tpu.vector_load %arg6[%get3A_187, %get3A_188, %get3A_189] {strides = array<i32>} : memref<2x104x256xf32, #tpu.memory_space<vmem>>, vector<16xf32>,
        %bitcast3A_191 = vector.bitcast %get3A_190 : vector<16xf32> to vector<32xbf16>
        %unpack3A_192 = tpu.unpack_subelements %bitcast3A_191, 0 {pack_format = #tpu.pack_format<interleaved>} : vector<32xbf16> -> vector<16xf32>
        %unpack3A_193 = tpu.unpack_subelements %bitcast3A_191, 1 {pack_format = #tpu.pack_format<interleaved>} : vector<32xbf16> -> vector<16xf32>
        %add3A_194 = arith.addf %scan3A_127, %unpack3A_192 : vector<16xf32>
        %add3A_195 = arith.addf %scan3A_137, %unpack3A_193 : vector<16xf32>
        %get3A_196 = arith.constant 1 : i32
        %get3A_197 = arith.index_cast %get3A_196 : i32 to index
        %get3A_198 = arith.index_cast %mul3A_144 : i32 to index
        %get3A_199 = arith.constant 80 : index
        %get3A_200 = tpu.vector_load %arg6[%get3A_197, %get3A_198, %get3A_199] {strides = array<i32>} : memref<2x104x256xf32, #tpu.memory_space<vmem>>, vector<16xf32>,
        %bitcast3A_201 = vector.bitcast %get3A_200 : vector<16xf32> to vector<32xbf16>
        %unpack3A_202 = tpu.unpack_subelements %bitcast3A_201, 0 {pack_format = #tpu.pack_format<interleaved>} : vector<32xbf16> -> vector<16xf32>
        %unpack3A_203 = tpu.unpack_subelements %bitcast3A_201, 1 {pack_format = #tpu.pack_format<interleaved>} : vector<32xbf16> -> vector<16xf32>
        %add3A_204 = arith.addf %scan3A_128, %unpack3A_202 : vector<16xf32>
        %add3A_205 = arith.addf %scan3A_138, %unpack3A_203 : vector<16xf32>
        %get3A_206 = arith.constant 1 : i32
        %get3A_207 = arith.index_cast %get3A_206 : i32 to index
        %get3A_208 = arith.index_cast %mul3A_144 : i32 to index
        %get3A_209 = arith.constant 96 : index
        %get3A_210 = tpu.vector_load %arg6[%get3A_207, %get3A_208, %get3A_209] {strides = array<i32>} : memref<2x104x256xf32, #tpu.memory_space<vmem>>, vector<16xf32>,
        %bitcast3A_211 = vector.bitcast %get3A_210 : vector<16xf32> to vector<32xbf16>
        %unpack3A_212 = tpu.unpack_subelements %bitcast3A_211, 0 {pack_format = #tpu.pack_format<interleaved>} : vector<32xbf16> -> vector<16xf32>
        %unpack3A_213 = tpu.unpack_subelements %bitcast3A_211, 1 {pack_format = #tpu.pack_format<interleaved>} : vector<32xbf16> -> vector<16xf32>
        %add3A_214 = arith.addf %scan3A_129, %unpack3A_212 : vector<16xf32>
        %add3A_215 = arith.addf %scan3A_139, %unpack3A_213 : vector<16xf32>
        %get3A_216 = arith.constant 1 : i32
        %get3A_217 = arith.index_cast %get3A_216 : i32 to index
        %get3A_218 = arith.index_cast %mul3A_144 : i32 to index
        %get3A_219 = arith.constant 112 : index
        %get3A_220 = tpu.vector_load %arg6[%get3A_217, %get3A_218, %get3A_219] {strides = array<i32>} : memref<2x104x256xf32, #tpu.memory_space<vmem>>, vector<16xf32>,
        %bitcast3A_221 = vector.bitcast %get3A_220 : vector<16xf32> to vector<32xbf16>
        %unpack3A_222 = tpu.unpack_subelements %bitcast3A_221, 0 {pack_format = #tpu.pack_format<interleaved>} : vector<32xbf16> -> vector<16xf32>
        %unpack3A_223 = tpu.unpack_subelements %bitcast3A_221, 1 {pack_format = #tpu.pack_format<interleaved>} : vector<32xbf16> -> vector<16xf32>
        %add3A_224 = arith.addf %scan3A_130, %unpack3A_222 : vector<16xf32>
        %add3A_225 = arith.addf %scan3A_140, %unpack3A_223 : vector<16xf32>
        %get3A_226 = arith.constant 1 : i32
        %get3A_227 = arith.index_cast %get3A_226 : i32 to index
        %get3A_228 = arith.index_cast %mul3A_144 : i32 to index
        %get3A_229 = arith.constant 128 : index
        %get3A_230 = tpu.vector_load %arg6[%get3A_227, %get3A_228, %get3A_229] {strides = array<i32>} : memref<2x104x256xf32, #tpu.memory_space<vmem>>, vector<16xf32>,
        %bitcast3A_231 = vector.bitcast %get3A_230 : vector<16xf32> to vector<32xbf16>
        %unpack3A_232 = tpu.unpack_subelements %bitcast3A_231, 0 {pack_format = #tpu.pack_format<interleaved>} : vector<32xbf16> -> vector<16xf32>
        %unpack3A_233 = tpu.unpack_subelements %bitcast3A_231, 1 {pack_format = #tpu.pack_format<interleaved>} : vector<32xbf16> -> vector<16xf32>
        %add3A_234 = arith.addf %scan3A_131, %unpack3A_232 : vector<16xf32>
        %add3A_235 = arith.addf %scan3A_141, %unpack3A_233 : vector<16xf32>
        %get3A_236 = arith.constant 1 : i32
        %get3A_237 = arith.index_cast %get3A_236 : i32 to index
        %get3A_238 = arith.index_cast %mul3A_144 : i32 to index
        %get3A_239 = arith.constant 144 : index
        %get3A_240 = tpu.vector_load %arg6[%get3A_237, %get3A_238, %get3A_239] {strides = array<i32>} : memref<2x104x256xf32, #tpu.memory_space<vmem>>, vector<16xf32>,
        %bitcast3A_241 = vector.bitcast %get3A_240 : vector<16xf32> to vector<32xbf16>
        %unpack3A_242 = tpu.unpack_subelements %bitcast3A_241, 0 {pack_format = #tpu.pack_format<interleaved>} : vector<32xbf16> -> vector<16xf32>
        %unpack3A_243 = tpu.unpack_subelements %bitcast3A_241, 1 {pack_format = #tpu.pack_format<interleaved>} : vector<32xbf16> -> vector<16xf32>
        %add3A_244 = arith.addf %scan3A_132, %unpack3A_242 : vector<16xf32>
        %add3A_245 = arith.addf %scan3A_142, %unpack3A_243 : vector<16xf32>
        %get3A_246 = arith.constant 1 : i32
        %get3A_247 = arith.index_cast %get3A_246 : i32 to index
        %get3A_248 = arith.index_cast %add3A_148 : i32 to index
        %get3A_249 = arith.constant 0 : index
        %get3A_250 = tpu.vector_load %arg6[%get3A_247, %get3A_248, %get3A_249] {strides = array<i32>} : memref<2x104x256xf32, #tpu.memory_space<vmem>>, vector<16xf32>,
        %bitcast3A_251 = vector.bitcast %get3A_250 : vector<16xf32> to vector<32xbf16>
        %unpack3A_252 = tpu.unpack_subelements %bitcast3A_251, 0 {pack_format = #tpu.pack_format<interleaved>} : vector<32xbf16> -> vector<16xf32>
        %unpack3A_253 = tpu.unpack_subelements %bitcast3A_251, 1 {pack_format = #tpu.pack_format<interleaved>} : vector<32xbf16> -> vector<16xf32>
        %add3A_254 = arith.addf %add3A_154, %unpack3A_252 : vector<16xf32>
        %add3A_255 = arith.addf %add3A_155, %unpack3A_253 : vector<16xf32>
        %get3A_256 = arith.constant 1 : i32
        %get3A_257 = arith.index_cast %get3A_256 : i32 to index
        %get3A_258 = arith.index_cast %add3A_148 : i32 to index
        %get3A_259 = arith.constant 16 : index
        %get3A_260 = tpu.vector_load %arg6[%get3A_257, %get3A_258, %get3A_259] {strides = array<i32>} : memref<2x104x256xf32, #tpu.memory_space<vmem>>, vector<16xf32>,
        %bitcast3A_261 = vector.bitcast %get3A_260 : vector<16xf32> to vector<32xbf16>
        %unpack3A_262 = tpu.unpack_subelements %bitcast3A_261, 0 {pack_format = #tpu.pack_format<interleaved>} : vector<32xbf16> -> vector<16xf32>
        %unpack3A_263 = tpu.unpack_subelements %bitcast3A_261, 1 {pack_format = #tpu.pack_format<interleaved>} : vector<32xbf16> -> vector<16xf32>
        %add3A_264 = arith.addf %add3A_164, %unpack3A_262 : vector<16xf32>
        %add3A_265 = arith.addf %add3A_165, %unpack3A_263 : vector<16xf32>
        %get3A_266 = arith.constant 1 : i32
        %get3A_267 = arith.index_cast %get3A_266 : i32 to index
        %get3A_268 = arith.index_cast %add3A_148 : i32 to index
        %get3A_269 = arith.constant 32 : index
        %get3A_270 = tpu.vector_load %arg6[%get3A_267, %get3A_268, %get3A_269] {strides = array<i32>} : memref<2x104x256xf32, #tpu.memory_space<vmem>>, vector<16xf32>,
        %bitcast3A_271 = vector.bitcast %get3A_270 : vector<16xf32> to vector<32xbf16>
        %unpack3A_272 = tpu.unpack_subelements %bitcast3A_271, 0 {pack_format = #tpu.pack_format<interleaved>} : vector<32xbf16> -> vector<16xf32>
        %unpack3A_273 = tpu.unpack_subelements %bitcast3A_271, 1 {pack_format = #tpu.pack_format<interleaved>} : vector<32xbf16> -> vector<16xf32>
        %add3A_274 = arith.addf %add3A_174, %unpack3A_272 : vector<16xf32>
        %add3A_275 = arith.addf %add3A_175, %unpack3A_273 : vector<16xf32>
        %get3A_276 = arith.constant 1 : i32
        %get3A_277 = arith.index_cast %get3A_276 : i32 to index
        %get3A_278 = arith.index_cast %add3A_148 : i32 to index
        %get3A_279 = arith.constant 48 : index
        %get3A_280 = tpu.vector_load %arg6[%get3A_277, %get3A_278, %get3A_279] {strides = array<i32>} : memref<2x104x256xf32, #tpu.memory_space<vmem>>, vector<16xf32>,
        %bitcast3A_281 = vector.bitcast %get3A_280 : vector<16xf32> to vector<32xbf16>
        %unpack3A_282 = tpu.unpack_subelements %bitcast3A_281, 0 {pack_format = #tpu.pack_format<interleaved>} : vector<32xbf16> -> vector<16xf32>
        %unpack3A_283 = tpu.unpack_subelements %bitcast3A_281, 1 {pack_format = #tpu.pack_format<interleaved>} : vector<32xbf16> -> vector<16xf32>
        %add3A_284 = arith.addf %add3A_184, %unpack3A_282 : vector<16xf32>
        %add3A_285 = arith.addf %add3A_185, %unpack3A_283 : vector<16xf32>
        %get3A_286 = arith.constant 1 : i32
        %get3A_287 = arith.index_cast %get3A_286 : i32 to index
        %get3A_288 = arith.index_cast %add3A_148 : i32 to index
        %get3A_289 = arith.constant 64 : index
        %get3A_290 = tpu.vector_load %arg6[%get3A_287, %get3A_288, %get3A_289] {strides = array<i32>} : memref<2x104x256xf32, #tpu.memory_space<vmem>>, vector<16xf32>,
        %bitcast3A_291 = vector.bitcast %get3A_290 : vector<16xf32> to vector<32xbf16>
        %unpack3A_292 = tpu.unpack_subelements %bitcast3A_291, 0 {pack_format = #tpu.pack_format<interleaved>} : vector<32xbf16> -> vector<16xf32>
        %unpack3A_293 = tpu.unpack_subelements %bitcast3A_291, 1 {pack_format = #tpu.pack_format<interleaved>} : vector<32xbf16> -> vector<16xf32>
        %add3A_294 = arith.addf %add3A_194, %unpack3A_292 : vector<16xf32>
        %add3A_295 = arith.addf %add3A_195, %unpack3A_293 : vector<16xf32>
        %get3A_296 = arith.constant 1 : i32
        %get3A_297 = arith.index_cast %get3A_296 : i32 to index
        %get3A_298 = arith.index_cast %add3A_148 : i32 to index
        %get3A_299 = arith.constant 80 : index
        %get3A_300 = tpu.vector_load %arg6[%get3A_297, %get3A_298, %get3A_299] {strides = array<i32>} : memref<2x104x256xf32, #tpu.memory_space<vmem>>, vector<16xf32>,
        %bitcast3A_301 = vector.bitcast %get3A_300 : vector<16xf32> to vector<32xbf16>
        %unpack3A_302 = tpu.unpack_subelements %bitcast3A_301, 0 {pack_format = #tpu.pack_format<interleaved>} : vector<32xbf16> -> vector<16xf32>
        %unpack3A_303 = tpu.unpack_subelements %bitcast3A_301, 1 {pack_format = #tpu.pack_format<interleaved>} : vector<32xbf16> -> vector<16xf32>
        %add3A_304 = arith.addf %add3A_204, %unpack3A_302 : vector<16xf32>
        %add3A_305 = arith.addf %add3A_205, %unpack3A_303 : vector<16xf32>
        %get3A_306 = arith.constant 1 : i32
        %get3A_307 = arith.index_cast %get3A_306 : i32 to index
        %get3A_308 = arith.index_cast %add3A_148 : i32 to index
        %get3A_309 = arith.constant 96 : index
        %get3A_310 = tpu.vector_load %arg6[%get3A_307, %get3A_308, %get3A_309] {strides = array<i32>} : memref<2x104x256xf32, #tpu.memory_space<vmem>>, vector<16xf32>,
        %bitcast3A_311 = vector.bitcast %get3A_310 : vector<16xf32> to vector<32xbf16>
        %unpack3A_312 = tpu.unpack_subelements %bitcast3A_311, 0 {pack_format = #tpu.pack_format<interleaved>} : vector<32xbf16> -> vector<16xf32>
        %unpack3A_313 = tpu.unpack_subelements %bitcast3A_311, 1 {pack_format = #tpu.pack_format<interleaved>} : vector<32xbf16> -> vector<16xf32>
        %add3A_314 = arith.addf %add3A_214, %unpack3A_312 : vector<16xf32>
        %add3A_315 = arith.addf %add3A_215, %unpack3A_313 : vector<16xf32>
        %get3A_316 = arith.constant 1 : i32
        %get3A_317 = arith.index_cast %get3A_316 : i32 to index
        %get3A_318 = arith.index_cast %add3A_148 : i32 to index
        %get3A_319 = arith.constant 112 : index
        %get3A_320 = tpu.vector_load %arg6[%get3A_317, %get3A_318, %get3A_319] {strides = array<i32>} : memref<2x104x256xf32, #tpu.memory_space<vmem>>, vector<16xf32>,
        %bitcast3A_321 = vector.bitcast %get3A_320 : vector<16xf32> to vector<32xbf16>
        %unpack3A_322 = tpu.unpack_subelements %bitcast3A_321, 0 {pack_format = #tpu.pack_format<interleaved>} : vector<32xbf16> -> vector<16xf32>
        %unpack3A_323 = tpu.unpack_subelements %bitcast3A_321, 1 {pack_format = #tpu.pack_format<interleaved>} : vector<32xbf16> -> vector<16xf32>
        %add3A_324 = arith.addf %add3A_224, %unpack3A_322 : vector<16xf32>
        %add3A_325 = arith.addf %add3A_225, %unpack3A_323 : vector<16xf32>
        %get3A_326 = arith.constant 1 : i32
        %get3A_327 = arith.index_cast %get3A_326 : i32 to index
        %get3A_328 = arith.index_cast %add3A_148 : i32 to index
        %get3A_329 = arith.constant 128 : index
        %get3A_330 = tpu.vector_load %arg6[%get3A_327, %get3A_328, %get3A_329] {strides = array<i32>} : memref<2x104x256xf32, #tpu.memory_space<vmem>>, vector<16xf32>,
        %bitcast3A_331 = vector.bitcast %get3A_330 : vector<16xf32> to vector<32xbf16>
        %unpack3A_332 = tpu.unpack_subelements %bitcast3A_331, 0 {pack_format = #tpu.pack_format<interleaved>} : vector<32xbf16> -> vector<16xf32>
        %unpack3A_333 = tpu.unpack_subelements %bitcast3A_331, 1 {pack_format = #tpu.pack_format<interleaved>} : vector<32xbf16> -> vector<16xf32>
        %add3A_334 = arith.addf %add3A_234, %unpack3A_332 : vector<16xf32>
        %add3A_335 = arith.addf %add3A_235, %unpack3A_333 : vector<16xf32>
        %get3A_336 = arith.constant 1 : i32
        %get3A_337 = arith.index_cast %get3A_336 : i32 to index
        %get3A_338 = arith.index_cast %add3A_148 : i32 to index
        %get3A_339 = arith.constant 144 : index
        %get3A_340 = tpu.vector_load %arg6[%get3A_337, %get3A_338, %get3A_339] {strides = array<i32>} : memref<2x104x256xf32, #tpu.memory_space<vmem>>, vector<16xf32>,
        %bitcast3A_341 = vector.bitcast %get3A_340 : vector<16xf32> to vector<32xbf16>
        %unpack3A_342 = tpu.unpack_subelements %bitcast3A_341, 0 {pack_format = #tpu.pack_format<interleaved>} : vector<32xbf16> -> vector<16xf32>
        %unpack3A_343 = tpu.unpack_subelements %bitcast3A_341, 1 {pack_format = #tpu.pack_format<interleaved>} : vector<32xbf16> -> vector<16xf32>
        %add3A_344 = arith.addf %add3A_244, %unpack3A_342 : vector<16xf32>
        %add3A_345 = arith.addf %add3A_245, %unpack3A_343 : vector<16xf32>
        scf.yield %add3A_254, %add3A_264, %add3A_274, %add3A_284, %add3A_294, %add3A_304, %add3A_314, %add3A_324, %add3A_334, %add3A_344, %add3A_255, %add3A_265, %add3A_275, %add3A_285, %add3A_295, %add3A_305, %add3A_315, %add3A_325, %add3A_335, %add3A_345 : vector<16xf32>, vector<16xf32>, vector<16xf32>, vector<16xf32>, vector<16xf32>, vector<16xf32>, vector<16xf32>, vector<16xf32>, vector<16xf32>, vector<16xf32>, vector<16xf32>, vector<16xf32>, vector<16xf32>, vector<16xf32>, vector<16xf32>, vector<16xf32>, vector<16xf32>, vector<16xf32>, vector<16xf32>, vector<16xf32>
      }
      %scan3A_78 = arith.constant 48 : i32
      %swap3A = arith.constant 0 : index
      %swap3A_79 = tpu.vector_load %arg7[%swap3A] {strides = array<i32>} : memref<320xf32, #tpu.memory_space<vmem>>, vector<16xf32>,
      tpu.vector_store %arg7[%swap3A], %scan3A_77#0 {strides = array<i32>} : memref<320xf32, #tpu.memory_space<vmem>>, vector<16xf32>,
      %swap3A_80 = arith.constant 16 : index
      %swap3A_81 = tpu.vector_load %arg7[%swap3A_80] {strides = array<i32>} : memref<320xf32, #tpu.memory_space<vmem>>, vector<16xf32>,
      tpu.vector_store %arg7[%swap3A_80], %scan3A_77#1 {strides = array<i32>} : memref<320xf32, #tpu.memory_space<vmem>>, vector<16xf32>,
      %swap3A_82 = arith.constant 32 : index
      %swap3A_83 = tpu.vector_load %arg7[%swap3A_82] {strides = array<i32>} : memref<320xf32, #tpu.memory_space<vmem>>, vector<16xf32>,
      tpu.vector_store %arg7[%swap3A_82], %scan3A_77#2 {strides = array<i32>} : memref<320xf32, #tpu.memory_space<vmem>>, vector<16xf32>,
      %swap3A_84 = arith.constant 48 : index
      %swap3A_85 = tpu.vector_load %arg7[%swap3A_84] {strides = array<i32>} : memref<320xf32, #tpu.memory_space<vmem>>, vector<16xf32>,
      tpu.vector_store %arg7[%swap3A_84], %scan3A_77#3 {strides = array<i32>} : memref<320xf32, #tpu.memory_space<vmem>>, vector<16xf32>,
      %swap3A_86 = arith.constant 64 : index
      %swap3A_87 = tpu.vector_load %arg7[%swap3A_86] {strides = array<i32>} : memref<320xf32, #tpu.memory_space<vmem>>, vector<16xf32>,
      tpu.vector_store %arg7[%swap3A_86], %scan3A_77#4 {strides = array<i32>} : memref<320xf32, #tpu.memory_space<vmem>>, vector<16xf32>,
      %swap3A_88 = arith.constant 80 : index
      %swap3A_89 = tpu.vector_load %arg7[%swap3A_88] {strides = array<i32>} : memref<320xf32, #tpu.memory_space<vmem>>, vector<16xf32>,
      tpu.vector_store %arg7[%swap3A_88], %scan3A_77#5 {strides = array<i32>} : memref<320xf32, #tpu.memory_space<vmem>>, vector<16xf32>,
      %swap3A_90 = arith.constant 96 : index
      %swap3A_91 = tpu.vector_load %arg7[%swap3A_90] {strides = array<i32>} : memref<320xf32, #tpu.memory_space<vmem>>, vector<16xf32>,
      tpu.vector_store %arg7[%swap3A_90], %scan3A_77#6 {strides = array<i32>} : memref<320xf32, #tpu.memory_space<vmem>>, vector<16xf32>,
      %swap3A_92 = arith.constant 112 : index
      %swap3A_93 = tpu.vector_load %arg7[%swap3A_92] {strides = array<i32>} : memref<320xf32, #tpu.memory_space<vmem>>, vector<16xf32>,
      tpu.vector_store %arg7[%swap3A_92], %scan3A_77#7 {strides = array<i32>} : memref<320xf32, #tpu.memory_space<vmem>>, vector<16xf32>,
      %swap3A_94 = arith.constant 128 : index
      %swap3A_95 = tpu.vector_load %arg7[%swap3A_94] {strides = array<i32>} : memref<320xf32, #tpu.memory_space<vmem>>, vector<16xf32>,
      tpu.vector_store %arg7[%swap3A_94], %scan3A_77#8 {strides = array<i32>} : memref<320xf32, #tpu.memory_space<vmem>>, vector<16xf32>,
      %swap3A_96 = arith.constant 144 : index
      %swap3A_97 = tpu.vector_load %arg7[%swap3A_96] {strides = array<i32>} : memref<320xf32, #tpu.memory_space<vmem>>, vector<16xf32>,
      tpu.vector_store %arg7[%swap3A_96], %scan3A_77#9 {strides = array<i32>} : memref<320xf32, #tpu.memory_space<vmem>>, vector<16xf32>,
      %swap3A_98 = arith.constant 160 : index
      %swap3A_99 = tpu.vector_load %arg7[%swap3A_98] {strides = array<i32>} : memref<320xf32, #tpu.memory_space<vmem>>, vector<16xf32>,
      tpu.vector_store %arg7[%swap3A_98], %scan3A_77#10 {strides = array<i32>} : memref<320xf32, #tpu.memory_space<vmem>>, vector<16xf32>,
      %swap3A_100 = arith.constant 176 : index
      %swap3A_101 = tpu.vector_load %arg7[%swap3A_100] {strides = array<i32>} : memref<320xf32, #tpu.memory_space<vmem>>, vector<16xf32>,
      tpu.vector_store %arg7[%swap3A_100], %scan3A_77#11 {strides = array<i32>} : memref<320xf32, #tpu.memory_space<vmem>>, vector<16xf32>,
      %swap3A_102 = arith.constant 192 : index
      %swap3A_103 = tpu.vector_load %arg7[%swap3A_102] {strides = array<i32>} : memref<320xf32, #tpu.memory_space<vmem>>, vector<16xf32>,
      tpu.vector_store %arg7[%swap3A_102], %scan3A_77#12 {strides = array<i32>} : memref<320xf32, #tpu.memory_space<vmem>>, vector<16xf32>,
      %swap3A_104 = arith.constant 208 : index
      %swap3A_105 = tpu.vector_load %arg7[%swap3A_104] {strides = array<i32>} : memref<320xf32, #tpu.memory_space<vmem>>, vector<16xf32>,
      tpu.vector_store %arg7[%swap3A_104], %scan3A_77#13 {strides = array<i32>} : memref<320xf32, #tpu.memory_space<vmem>>, vector<16xf32>,
      %swap3A_106 = arith.constant 224 : index
      %swap3A_107 = tpu.vector_load %arg7[%swap3A_106] {strides = array<i32>} : memref<320xf32, #tpu.memory_space<vmem>>, vector<16xf32>,
      tpu.vector_store %arg7[%swap3A_106], %scan3A_77#14 {strides = array<i32>} : memref<320xf32, #tpu.memory_space<vmem>>, vector<16xf32>,
      %swap3A_108 = arith.constant 240 : index
      %swap3A_109 = tpu.vector_load %arg7[%swap3A_108] {strides = array<i32>} : memref<320xf32, #tpu.memory_space<vmem>>, vector<16xf32>,
      tpu.vector_store %arg7[%swap3A_108], %scan3A_77#15 {strides = array<i32>} : memref<320xf32, #tpu.memory_space<vmem>>, vector<16xf32>,
      %swap3A_110 = arith.constant 256 : index
      %swap3A_111 = tpu.vector_load %arg7[%swap3A_110] {strides = array<i32>} : memref<320xf32, #tpu.memory_space<vmem>>, vector<16xf32>,
      tpu.vector_store %arg7[%swap3A_110], %scan3A_77#16 {strides = array<i32>} : memref<320xf32, #tpu.memory_space<vmem>>, vector<16xf32>,
      %swap3A_112 = arith.constant 272 : index
      %swap3A_113 = tpu.vector_load %arg7[%swap3A_112] {strides = array<i32>} : memref<320xf32, #tpu.memory_space<vmem>>, vector<16xf32>,
      tpu.vector_store %arg7[%swap3A_112], %scan3A_77#17 {strides = array<i32>} : memref<320xf32, #tpu.memory_space<vmem>>, vector<16xf32>,
      %swap3A_114 = arith.constant 288 : index
      %swap3A_115 = tpu.vector_load %arg7[%swap3A_114] {strides = array<i32>} : memref<320xf32, #tpu.memory_space<vmem>>, vector<16xf32>,
      tpu.vector_store %arg7[%swap3A_114], %scan3A_77#18 {strides = array<i32>} : memref<320xf32, #tpu.memory_space<vmem>>, vector<16xf32>,
      %swap3A_116 = arith.constant 304 : index
      %swap3A_117 = tpu.vector_load %arg7[%swap3A_116] {strides = array<i32>} : memref<320xf32, #tpu.memory_space<vmem>>, vector<16xf32>,
      tpu.vector_store %arg7[%swap3A_116], %scan3A_77#19 {strides = array<i32>} : memref<320xf32, #tpu.memory_space<vmem>>, vector<16xf32>,
      %add3A_118 = arith.addi %mul3A_2, %scan3A_20 : i32
      %mul3A_119 = arith.constant 320 : i32
      %mul3A_120 = arith.muli %add3A_118, %mul3A_119 : i32
      %multiple_of3A_121 = tpu.assume_multiple %mul3A_120, 8 : i32
      "tpu.region"() ({
        %run_scoped3A = tpu.sem_alloc : memref<!tpu.dma_semaphore, #tpu.memory_space<semaphore_mem>>
        %dma_start3A_122 = tpu.memref_slice %arg4[%multiple_of3A_121] : memref<1310720xf32, #tpu.memory_space<hbm>> -> memref<320xf32, #tpu.memory_space<hbm>>
        %dma_start3A_123 = tpu.memref_slice %arg4[%multiple_of3A_121] : memref<1310720xf32, #tpu.memory_space<hbm>> -> memref<320xf32, #tpu.memory_space<hbm>>
        tpu.enqueue_dma source(%arg7 : memref<320xf32, #tpu.memory_space<vmem>>) target(%dma_start3A_123 : memref<320xf32, #tpu.memory_space<hbm>>) target_semaphore(%run_scoped3A : memref<!tpu.dma_semaphore, #tpu.memory_space<semaphore_mem>>)
        %dma_wait3A_124 = tpu.memref_slice %arg4[%multiple_of3A_121] : memref<1310720xf32, #tpu.memory_space<hbm>> -> memref<320xf32, #tpu.memory_space<hbm>>
        %dma_wait3A_125 = tpu.memref_slice %arg4[%multiple_of3A_121] : memref<1310720xf32, #tpu.memory_space<hbm>> -> memref<320xf32, #tpu.memory_space<hbm>>
        tpu.wait_dma2 semaphore(%run_scoped3A : memref<!tpu.dma_semaphore, #tpu.memory_space<semaphore_mem>>) src(%arg7 : memref<320xf32, #tpu.memory_space<vmem>>) dst(%dma_wait3A_125 : memref<320xf32, #tpu.memory_space<hbm>>)
        tpu.yield
      }) : () -> ()
    }
    %scan3A_19 = arith.constant 128 : i32
    return
  }
}

module attributes {stable_mosaic.version = 14 : i64} {
  func.func @_pack_body(%arg0: i32, %arg1: memref<2000x300xf32, #tpu.memory_space<vmem>>, %arg2: memref<2000x256xf32, #tpu.memory_space<vmem>>) attributes {dimension_semantics = [#tpu.dimension_semantics<arbitrary>], iteration_bounds = array<i64: 50>, scalar_prefetch = 0 : i64, scratch_operands = 0 : i64, tpu.core_type = #tpu.core_type<tc>, window_params = [{transform_indices = @transform_0, window_bounds = array<i64: 2000, 300>}, {transform_indices = @transform_1, window_bounds = array<i64: 2000, 256>}]} {
    %get3A = arith.constant 0 : index
    %get3A_0 = arith.constant 0 : index
    %get3A_1 = vector.load %arg1[%get3A, %get3A_0] : memref<2000x300xf32, #tpu.memory_space<vmem>>, vector<2000x300xf32>
    %broadcast_in_dim3A = arith.constant 0.000000e+00 : f32
    %broadcast_in_dim3A_2 = vector.broadcast %broadcast_in_dim3A : f32 to vector<2000x20xf32>
    %concatenate3A = tpu.concatenate %get3A_1, %broadcast_in_dim3A_2 in 1 : vector<2000x300xf32>, vector<2000x20xf32> -> vector<2000x320xf32>
    %bitcast_convert_type3A = tpu.bitcast %concatenate3A : vector<2000x320xf32> -> vector<2000x320xi32>
    %add3A = arith.constant 32767 : i32
    %add3A_3 = vector.broadcast %add3A : i32 to vector<2000x320xi32>
    %add3A_4 = arith.addi %bitcast_convert_type3A, %add3A_3 : vector<2000x320xi32>
    %shift_right_logical3A = arith.constant 16 : i32
    %shift_right_logical3A_5 = vector.broadcast %shift_right_logical3A : i32 to vector<2000x320xi32>
    %shift_right_logical3A_6 = arith.shrui %bitcast_convert_type3A, %shift_right_logical3A_5 : vector<2000x320xi32>
    %and3A = arith.constant 1 : i32
    %and3A_7 = vector.broadcast %and3A : i32 to vector<2000x320xi32>
    %and3A_8 = arith.andi %shift_right_logical3A_6, %and3A_7 : vector<2000x320xi32>
    %add3A_9 = arith.addi %add3A_4, %and3A_8 : vector<2000x320xi32>
    %slice3A = vector.extract_strided_slice %add3A_9 {offsets = [0, 0], sizes = [2000, 160], strides = [1, 1]} : vector<2000x320xi32> to vector<2000x160xi32>
    %shift_right_logical3A_10 = arith.constant 16 : i32
    %shift_right_logical3A_11 = vector.broadcast %shift_right_logical3A_10 : i32 to vector<2000x160xi32>
    %shift_right_logical3A_12 = arith.shrui %slice3A, %shift_right_logical3A_11 : vector<2000x160xi32>
    %slice3A_13 = vector.extract_strided_slice %add3A_9 {offsets = [0, 160], sizes = [2000, 160], strides = [1, 1]} : vector<2000x320xi32> to vector<2000x160xi32>
    %and3A_14 = arith.constant -65536 : i32
    %and3A_15 = vector.broadcast %and3A_14 : i32 to vector<2000x160xi32>
    %and3A_16 = arith.andi %slice3A_13, %and3A_15 : vector<2000x160xi32>
    %or3A = arith.ori %shift_right_logical3A_12, %and3A_16 : vector<2000x160xi32>
    %broadcast_in_dim3A_17 = arith.constant 0 : i32
    %broadcast_in_dim3A_18 = vector.broadcast %broadcast_in_dim3A_17 : i32 to vector<2000x96xi32>
    %concatenate3A_19 = tpu.concatenate %or3A, %broadcast_in_dim3A_18 in 1 : vector<2000x160xi32>, vector<2000x96xi32> -> vector<2000x256xi32>
    %bitcast_convert_type3A_20 = tpu.bitcast %concatenate3A_19 : vector<2000x256xi32> -> vector<2000x256xf32>
    %swap3A = arith.constant 0 : index
    %swap3A_21 = arith.constant 0 : index
    %swap3A_22 = vector.load %arg2[%swap3A, %swap3A_21] : memref<2000x256xf32, #tpu.memory_space<vmem>>, vector<2000x256xf32>
    tpu.vector_store %arg2[%swap3A, %swap3A_21], %bitcast_convert_type3A_20 {strides = array<i32>} : memref<2000x256xf32, #tpu.memory_space<vmem>>, vector<2000x256xf32>,
    return
  }
  func.func @transform_0(%arg0: i32) -> (i32, i32) {
    %c0_i32 = arith.constant 0 : i32
    %c0_i32_0 = arith.constant 0 : i32
    return %arg0, %c0_i32 : i32, i32
  }
  func.func @transform_1(%arg0: i32) -> (i32, i32) {
    %c0_i32 = arith.constant 0 : i32
    %c0_i32_0 = arith.constant 0 : i32
    return %arg0, %c0_i32 : i32, i32
  }
}

module attributes {stable_mosaic.version = 14 : i64} {
  func.func @_mlp_body(%arg0: i32, %arg1: memref<1024x320xf32, #tpu.memory_space<vmem>>, %arg2: memref<320x150xf32, #tpu.memory_space<vmem>>, %arg3: memref<1x150xf32, #tpu.memory_space<vmem>>, %arg4: memref<150x150xf32, #tpu.memory_space<vmem>>, %arg5: memref<1x150xf32, #tpu.memory_space<vmem>>, %arg6: memref<150x1xf32, #tpu.memory_space<vmem>>, %arg7: memref<1x1xf32, #tpu.memory_space<vmem>>, %arg8: memref<1024x1xf32, #tpu.memory_space<vmem>>) attributes {dimension_semantics = [#tpu.dimension_semantics<arbitrary>], iteration_bounds = array<i64: 4>, scalar_prefetch = 0 : i64, scratch_operands = 0 : i64, tpu.core_type = #tpu.core_type<tc>, window_params = [{transform_indices = @transform_0, window_bounds = array<i64: 1024, 320>}, {pipeline_mode = #tpu.pipeline_mode<synchronous>, transform_indices = @transform_1, window_bounds = array<i64: 320, 150>}, {pipeline_mode = #tpu.pipeline_mode<synchronous>, transform_indices = @transform_2, window_bounds = array<i64: 1, 150>}, {pipeline_mode = #tpu.pipeline_mode<synchronous>, transform_indices = @transform_3, window_bounds = array<i64: 150, 150>}, {pipeline_mode = #tpu.pipeline_mode<synchronous>, transform_indices = @transform_4, window_bounds = array<i64: 1, 150>}, {pipeline_mode = #tpu.pipeline_mode<synchronous>, transform_indices = @transform_5, window_bounds = array<i64: 150, 1>}, {pipeline_mode = #tpu.pipeline_mode<synchronous>, transform_indices = @transform_6, window_bounds = array<i64: 1, 1>}, {transform_indices = @transform_7, window_bounds = array<i64: 1024, 1>}]} {
    %get3A = arith.constant 0 : index
    %get3A_0 = arith.constant 0 : index
    %get3A_1 = vector.load %arg1[%get3A, %get3A_0] : memref<1024x320xf32, #tpu.memory_space<vmem>>, vector<1024x320xf32>
    %get3A_2 = arith.constant 0 : index
    %get3A_3 = arith.constant 0 : index
    %get3A_4 = vector.load %arg2[%get3A_2, %get3A_3] : memref<320x150xf32, #tpu.memory_space<vmem>>, vector<320x150xf32>
    %dot_general3A = arith.constant dense<0.000000e+00> : vector<1024x150xf32>
    %dot_general3A_5 = tpu.matmul %get3A_1, %get3A_4, %dot_general3A {dimension_numbers = #tpu.dot_dimension_numbers<[1], [0], [0], [1], [0, 0, 1, 1], [], []>, transpose_lhs_hint = false} : vector<1024x320xf32>, vector<320x150xf32>, vector<1024x150xf32> -> vector<1024x150xf32>
    %get3A_6 = arith.constant 0 : index
    %get3A_7 = arith.constant 0 : index
    %get3A_8 = vector.load %arg3[%get3A_6, %get3A_7] : memref<1x150xf32, #tpu.memory_space<vmem>>, vector<1x150xf32>
    %add3A = vector.broadcast %get3A_8 : vector<1x150xf32> to vector<1024x150xf32>
    %add3A_9 = arith.addf %dot_general3A_5, %add3A : vector<1024x150xf32>
    %max3A = arith.constant 0.000000e+00 : f32
    %max3A_10 = vector.broadcast %max3A : f32 to vector<1024x150xf32>
    %max3A_11 = arith.maximumf %add3A_9, %max3A_10 : vector<1024x150xf32>
    %get3A_12 = arith.constant 0 : index
    %get3A_13 = arith.constant 0 : index
    %get3A_14 = vector.load %arg4[%get3A_12, %get3A_13] : memref<150x150xf32, #tpu.memory_space<vmem>>, vector<150x150xf32>
    %dot_general3A_15 = arith.constant dense<0.000000e+00> : vector<1024x150xf32>
    %dot_general3A_16 = tpu.matmul %max3A_11, %get3A_14, %dot_general3A_15 {dimension_numbers = #tpu.dot_dimension_numbers<[1], [0], [0], [1], [0, 0, 1, 1], [], []>, transpose_lhs_hint = false} : vector<1024x150xf32>, vector<150x150xf32>, vector<1024x150xf32> -> vector<1024x150xf32>
    %get3A_17 = arith.constant 0 : index
    %get3A_18 = arith.constant 0 : index
    %get3A_19 = vector.load %arg5[%get3A_17, %get3A_18] : memref<1x150xf32, #tpu.memory_space<vmem>>, vector<1x150xf32>
    %add3A_20 = vector.broadcast %get3A_19 : vector<1x150xf32> to vector<1024x150xf32>
    %add3A_21 = arith.addf %dot_general3A_16, %add3A_20 : vector<1024x150xf32>
    %max3A_22 = arith.constant 0.000000e+00 : f32
    %max3A_23 = vector.broadcast %max3A_22 : f32 to vector<1024x150xf32>
    %max3A_24 = arith.maximumf %add3A_21, %max3A_23 : vector<1024x150xf32>
    %get3A_25 = arith.constant 0 : index
    %get3A_26 = arith.constant 0 : index
    %get3A_27 = vector.load %arg6[%get3A_25, %get3A_26] : memref<150x1xf32, #tpu.memory_space<vmem>>, vector<150x1xf32>
    %dot_general3A_28 = arith.constant dense<0.000000e+00> : vector<1024x1xf32>
    %dot_general3A_29 = tpu.matmul %max3A_24, %get3A_27, %dot_general3A_28 {dimension_numbers = #tpu.dot_dimension_numbers<[1], [0], [0], [1], [0, 0, 1, 1], [], []>, transpose_lhs_hint = false} : vector<1024x150xf32>, vector<150x1xf32>, vector<1024x1xf32> -> vector<1024x1xf32>
    %get3A_30 = arith.constant 0 : index
    %get3A_31 = arith.constant 0 : index
    %get3A_32 = vector.load %arg7[%get3A_30, %get3A_31] : memref<1x1xf32, #tpu.memory_space<vmem>>, vector<1x1xf32>
    %add3A_33 = vector.broadcast %get3A_32 : vector<1x1xf32> to vector<1024x1xf32>
    %add3A_34 = arith.addf %dot_general3A_29, %add3A_33 : vector<1024x1xf32>
    %swap3A = arith.constant 0 : index
    %swap3A_35 = arith.constant 0 : index
    %swap3A_36 = vector.load %arg8[%swap3A, %swap3A_35] : memref<1024x1xf32, #tpu.memory_space<vmem>>, vector<1024x1xf32>
    tpu.vector_store %arg8[%swap3A, %swap3A_35], %add3A_34 {strides = array<i32>} : memref<1024x1xf32, #tpu.memory_space<vmem>>, vector<1024x1xf32>,
    return
  }
  func.func @transform_0(%arg0: i32) -> (i32, i32) {
    %c0_i32 = arith.constant 0 : i32
    %c0_i32_0 = arith.constant 0 : i32
    return %arg0, %c0_i32 : i32, i32
  }
  func.func @transform_1(%arg0: i32) -> (i32, i32) {
    %c0_i32 = arith.constant 0 : i32
    %c0_i32_0 = arith.constant 0 : i32
    %c0_i32_1 = arith.constant 0 : i32
    return %c0_i32, %c0_i32_0 : i32, i32
  }
  func.func @transform_2(%arg0: i32) -> (i32, i32) {
    %c0_i32 = arith.constant 0 : i32
    %c0_i32_0 = arith.constant 0 : i32
    %c0_i32_1 = arith.constant 0 : i32
    return %c0_i32, %c0_i32_0 : i32, i32
  }
  func.func @transform_3(%arg0: i32) -> (i32, i32) {
    %c0_i32 = arith.constant 0 : i32
    %c0_i32_0 = arith.constant 0 : i32
    %c0_i32_1 = arith.constant 0 : i32
    return %c0_i32, %c0_i32_0 : i32, i32
  }
  func.func @transform_4(%arg0: i32) -> (i32, i32) {
    %c0_i32 = arith.constant 0 : i32
    %c0_i32_0 = arith.constant 0 : i32
    %c0_i32_1 = arith.constant 0 : i32
    return %c0_i32, %c0_i32_0 : i32, i32
  }
  func.func @transform_5(%arg0: i32) -> (i32, i32) {
    %c0_i32 = arith.constant 0 : i32
    %c0_i32_0 = arith.constant 0 : i32
    %c0_i32_1 = arith.constant 0 : i32
    return %c0_i32, %c0_i32_0 : i32, i32
  }
  func.func @transform_6(%arg0: i32) -> (i32, i32) {
    %c0_i32 = arith.constant 0 : i32
    %c0_i32_0 = arith.constant 0 : i32
    %c0_i32_1 = arith.constant 0 : i32
    return %c0_i32, %c0_i32_0 : i32, i32
  }
  func.func @transform_7(%arg0: i32) -> (i32, i32) {
    %c0_i32 = arith.constant 0 : i32
    %c0_i32_0 = arith.constant 0 : i32
    return %arg0, %c0_i32 : i32, i32
  }
}

</mosaic_0001>

<sc_bundles>
// kernel: kernel.5.cloned.1.call-start
scs
__scs_entry_jumppad:
0x0: {  	(pc) =	sbr.rel $0x88, $3  }
0x1: {  	(tag) =	ssettag $0x0;
	lr =	simm.s32 $0x1  }
0x2: {  	[smem:$0x3F99] =	sst lr;
	_ =	strace $0xD0000000  }
0x3: {  	_ = 	snop  }
0x4: {  	_ = 	snop  }
0x5: {  	_ = 	snop  }
0x6: {  	_ = 	snop  }
0x7: {  	_ = 	snop  }
__scs_overlays_trampoline_lowered:
0x8: {  	[smem:$0x3FA8] =	sst s0  }
0x9: {  	[smem:$0x3FA9] =	sst s1  }
0xa: {  	[smem:$0x3FAA] =	sst s2  }
0xb: {  	[smem:$0x3FAB] =	sst s3  }
0xc: {  	[smem:$0x3FAC] =	sst s4  }
0xd: {  	[smem:$0x3FAD] =	sst s5  }
0xe: {  	[smem:$0x3FAE] =	sst s6  }
0xf: {  	[smem:$0x3FAF] =	sst s7  }
0x10: {  	[smem:$0x3FB0] =	sst s8  }
0x11: {  	[smem:$0x3FB1] =	sst s9;
	s0 =	simm.s32 @!p0 $0x0  }
0x12: {  	s1 =	sld [smem:$0x3F97];
	s0 =	simm.s32 @p0 $0x1  }
0x13: {  	[smem:$0x3FB2] =	sst s0;
	s0 =	simm.s32 @!p1 $0x0  }
0x14: {  	s2 =	sld [smem:$0x3F96];
	s0 =	simm.s32 @p1 $0x1  }
0x15: {  	[smem:$0x3FB3] =	sst s0;
	s0 =	simm.s32 @!p2 $0x0  }
0x16: {  	s3 =	sld [smem:$0x3FDB];
	s0 =	simm.s32 @p2 $0x1  }
0x17: {  	s4 =	simm.s32 $0x1BF5;
	[smem:$0x3FB5] =	sst s0  }
0x18: {  	s0 =	sld [smem:$0x3F98];
	_ =	swait.ge [sflag:s4], $0x0  }
0x19: {  	s7 =	sld [smem:$0x3F99]  }
0x1a: {  	s8 =	sadd.s32 $0xFFFFE003, lr  }
0x1b: {  	s9 =	sadd.s32 $0xFFFFFEF7, lr;
	s5 =	simm.s32 $0xFFFFFFFF;
	p2 =	slt.u32 s8, $0xFFFFF086  }
0x1c: {  	p1 =	slt.u32 s9, $0xF7A;
	s5 =	simm.s32 @!p2 $0x0  }
0x1d: {  	s5 =	simm.s32 @p1 $0x1;
	p0 =	seq.s32 s7, s2  }
0x1e: {  	s7 =	smul.u32 @!p0 $0xF7A, s2;
	p2 =	seq.s32 @!p0 s5, $0x0  }
0x1f: {  	s9 =	smul.u32 $0xF7A, s1;
	s8 =	simm.s32 @!p0 $0x1BF5;
	p2 =	por !p2, p0  }
0x20: {  	[sflag:s8] =	ssyncset.s32 @!p0 $0xFFFFF086;
	s6 =	sadd.s32 @!p0 s3, s7;
	s7 =	simm.s32 @!p0 $0x108  }
0x21: {  	s3 =	sadd.s32 s3, s9;
	s6 =	sadd.s32 @!p0 $0x88, s6;
	s7 =	simm.s32 @p2 $0x1082  }
0x22: {  	[simem:s7], [sflag:s8] =	dma.local @!p0 [hbm:s6], $0xF7A  }
0x23: {  	s9 =	sor.u32 $0xD0000000, s2;
	s6 =	simm.s32 $0x108;
	_ =	swait.ge @!p0 [sflag:s8], $0x0  }
0x24: {  	s3 =	sadd.s32 $0x88, s3;
	s6 =	simm.s32 @!p1 $0x1082;
	[sflag:s4] =	ssyncset.s32 $0xFFFFF086  }
0x25: {  	[simem:s6], [sflag:s4] =	dma.local [hbm:s3], $0xF7A  }
0x26: {  	[smem:$0x3F99] =	sst s1;
	(tag) =	ssettag s2;
	_ =	strace s9  }
0x27: {  	s1 =	sld [smem:$0x3FA9]  }
0x28: {  	s2 =	sld [smem:$0x3FAA]  }
0x29: {  	s4 =	sld [smem:$0x3FAC]  }
0x2a: {  	p0 =	seq.s32 s5, $0x0;
	s5 =	sld [smem:$0x3FAD]  }
0x2b: {  	s6 =	sld [smem:$0x3FAE]  }
0x2c: {  	s7 =	sld [smem:$0x3FAF]  }
0x2d: {  	s3 =	simm.s32 $0x108;
	s8 =	sld [smem:$0x3FB0]  }
0x2e: {  	s3 =	simm.s32 @!p0 $0x1082;
	s9 =	sld [smem:$0x3FB1]  }
0x2f: {  	lr =	sadd.s32 s0, s3;
	s0 =	sld [smem:$0x3FA8]  }
0x30: {  	s3 =	sld [smem:$0x3FAB]  }
0x31: {  	[smem:$0x3FB4] =	sst s10  }
0x32: {  	s10 =	sld [smem:$0x3FB2];
	_ =	sdelay $0x3  }
0x33: {  	p0 =	seq.s32 s10, $0x1;
	s10 =	sld [smem:$0x3FB4];
	_ =	sdelay $0x3  }
0x34: {  	[smem:$0x3FB4] =	sst s10  }
0x35: {  	s10 =	sld [smem:$0x3FB3];
	_ =	sdelay $0x3  }
0x36: {  	p1 =	seq.s32 s10, $0x1;
	s10 =	sld [smem:$0x3FB4];
	_ =	sdelay $0x3  }
0x37: {  	[smem:$0x3FB4] =	sst s10  }
0x38: {  	s10 =	sld [smem:$0x3FB5]  }
0x39: {  	_ = 	snop;
	(pc) =	sbr.ind lr, $3  }
0x3a: {  	_ = 	snop  }
0x3b: {  	_ = 	snop  }
0x3c: {  	p2 =	seq.s32 s10, $0x1;
	s10 =	sld [smem:$0x3FB4]  }
0x3d: {  	_ =	shalt  }
0x3e: {  	_ =	shalt  }
0x3f: {  	_ =	shalt  }
0x40: {  	_ =	shalt  }
0x41: {  	_ =	shalt  }
0x42: {  	_ =	shalt  }
0x43: {  	_ =	shalt  }
0x44: {  	_ =	shalt  }
0x45: {  	_ =	shalt  }
0x46: {  	_ =	shalt  }
0x47: {  	_ =	shalt  }
0x48: {  	_ =	shalt  }
0x49: {  	_ =	shalt  }
0x4a: {  	_ =	shalt  }
0x4b: {  	_ =	shalt  }
0x4c: {  	_ =	shalt  }
0x4d: {  	_ =	shalt  }
0x4e: {  	_ =	shalt  }
0x4f: {  	_ =	shalt  }
0x50: {  	_ =	shalt  }
0x51: {  	_ =	shalt  }
0x52: {  	_ =	shalt  }
0x53: {  	_ =	shalt  }
0x54: {  	_ =	shalt  }
0x55: {  	_ =	shalt  }
0x56: {  	_ =	shalt  }
0x57: {  	_ =	shalt  }
0x58: {  	_ =	shalt  }
0x59: {  	_ =	shalt  }
0x5a: {  	_ =	shalt  }
0x5b: {  	_ =	shalt  }
0x5c: {  	_ =	shalt  }
0x5d: {  	_ =	shalt  }
0x5e: {  	_ =	shalt  }
0x5f: {  	_ =	shalt  }
0x60: {  	_ =	shalt  }
0x61: {  	_ =	shalt  }
0x62: {  	_ =	shalt  }
0x63: {  	_ =	shalt  }
0x64: {  	_ =	shalt  }
0x65: {  	_ =	shalt  }
0x66: {  	_ =	shalt  }
0x67: {  	_ =	shalt  }
0x68: {  	_ =	shalt  }
0x69: {  	_ =	shalt  }
0x6a: {  	_ =	shalt  }
0x6b: {  	_ =	shalt  }
0x6c: {  	_ =	shalt  }
0x6d: {  	_ =	shalt  }
0x6e: {  	_ =	shalt  }
0x6f: {  	_ =	shalt  }
0x70: {  	_ =	shalt  }
0x71: {  	_ =	shalt  }
0x72: {  	_ =	shalt  }
0x73: {  	_ =	shalt  }
0x74: {  	_ =	shalt  }
0x75: {  	_ =	shalt  }
0x76: {  	_ =	shalt  }
0x77: {  	_ =	shalt  }
0x78: {  	_ =	shalt  }
0x79: {  	_ =	shalt  }
0x7a: {  	_ =	shalt  }
0x7b: {  	_ =	shalt  }
0x7c: {  	_ =	shalt  }
0x7d: {  	_ =	shalt  }
0x7e: {  	_ =	shalt  }
0x7f: {  	_ =	shalt  }
0x80: {  	_ =	shalt  }
0x81: {  	_ =	shalt  }
0x82: {  	_ =	shalt  }
0x83: {  	_ =	shalt  }
0x84: {  	_ =	shalt  }
0x85: {  	_ =	shalt  }
0x86: {  	_ =	shalt  }
0x87: {  	_ =	shalt  }
.Lfunc_end0:
.L_simem_size_0:
called_computation_lowered:
.L_overlay_start_0:
0x88: {  	s2 =	sld [smem:$0x3FD9]  }
0x89: {  	s3 =	sld [smem:$0x3FFE];
	_ =	sdelay $0x1  }
0x8a: {  	s1 =	srdreg.scid  }
0x8b: {  	s0 =	sand.u32 $0x1, s1  }
0x8c: {  	s16 =	sshll.u32 s0, $0xA;
	s2 =	sadd.s32 s3, s2  }
0x8d: {  	s2 =	sadd.s32 s2, s16  }
0x8e: {  	[smem:$0x3FC0] =	sst s2  }
0x8f: {  	_ = 	snop  }
0x90: {  	(tm) =	ssettm $0x1  }
0x91: {  	s17 =	sld [smem:$0x3FFB];
	_ =	sdelay $0x3  }
0x92: {  	_ =	strace s17  }
0x93: {  	s2 =	sld [smem:$0x3FFC];
	_ =	sdelay $0x3  }
0x94: {  	_ =	strace s2  }
0x95: {  	s2 =	sld [smem:$0x3FFD];
	_ =	sdelay $0x3  }
0x96: {  	_ =	strace s2  }
0x97: {  	_ =	strace $0x8FFFFFFF  }
0x98: {  	s18 =	sld [smem:$0x3FDB];
	_ =	sdelay $0x1  }
0x99: {  	s19 =	simm.s32 $_scs_section_size  }
0x9a: {  	s4 =	simm.s32 $_size__tile_overlayer_lowered;
	s5 =	simm.s32 $_tile_overlayer_lowered  }
0x9b: {  	s22 =	simm.s32 $0x1BFF;
	s21 =	sshll.u32 s5, $0x1;
	s2 =	sadd.s32 s19, s18  }
0x9c: {  	s6 =	simm.s32 $0x0;
	s20 =	sshll.u32 s4, $0x1;
	s4 =	sadd.s32 s21, s2  }
0x9d: {  	[timem:s6], [sflag:s22] =	dma.local [hbm:s4], s20  }
0x9e: {  	_ =	swait.ge [sflag:s22], s20  }
0x9f: {  	s3 =	ssub.s32 $0x0, s20;
	[sflag:s22] =	ssyncset.done $0x0  }
0xa0: {  	[sflag:s22] =	ssyncadd.s32 s3;
	_ =	sdelay $0x1  }
0xa1: {  	s23 =	simm.s32 $0x1B8B  }
0xa2: {  	_ =	swait.ge [sflag:s23], $0x1  }
0xa3: {  	[sflag:s23] =	ssyncset.done $0x0  }
0xa4: {  	s25 =	simm.s32 $0x1B8E;
	s24 =	sld [smem:$0x3FFE];
	[sflag:s23] =	ssyncadd.s32 $0xFFFFFFFF  }
0xa5: {  	s26 =	simm.s32 $execute0_lowered;
	[smem:$0x3FD2] =	sst s25  }
0xa6: {  	s4 =	sshll.u32 s26, $0x1;
	_ =	strace $0x80000046;
	[dreg:$0x1] =	wrdreg $0xFFFFFFFF  }
0xa7: {  	s28 =	simm.s32 $_size_execute0_lowered;
	s2 =	sadd.s32 s2, s4;
	[dreg:$0x0] =	wrdreg $0x0  }
0xa8: {  	s4 =	sshll.u32 s28, $0x1;
	[dreg:$0x2] =	wrdreg s2  }
0xa9: {  	[dreg:$0x3] =	wrdreg s4  }
0xaa: {  	[dreg:$0x4] =	wrdreg $0xC0  }
0xab: {  	_ =	task [dreg:s6], $0x5FFFF  }
0xac: {  	[dreg:$0x1] =	wrdreg $0xFFFFFFFF  }
0xad: {  	[dreg:$0x0] =	wrdreg $0x60  }
0xae: {  	[dreg:$0x2] =	wrdreg s24  }
0xaf: {  	[dreg:$0x3] =	wrdreg $0x9  }
0xb0: {  	_ =	task.clear_ibuf [dreg:s6], $0x4FFFF;
	_ =	strace $0x90000046  }
0xb1: {  	s29 =	simm.s32 $0x9;
	_ =	strace $0x80000048  }
0xb2: {  	_ =	swait.ge [sflag:s29], $0x1  }
0xb3: {  	[sflag:s29] =	ssyncadd.s32 $0xFFFFFFFF  }
0xb4: {  	_ =	strace $0x90000048  }
0xb5: {  	_ =	sfence  }
0xb6: {  	s30 =	sld [smem:$0x0];
	_ =	sdelay $0x2  }
0xb7: {  	s31 =	sshll.u32 s1, $0xD;
	s1 =	sshrl.u32 s1, $0x2  }
0xb8: {  	s3 =	sand.u32 $0x4000, s31;
	s1 =	sadd.s32 s1, s30  }
0xb9: {  	s0 =	sor.u32 s3, s0;
	s1 =	sshll.u32 s1, $0x11  }
0xba: {  	s0 =	sor.u32 s1, s0  }
0xbb: {  	s0 =	sadd.s32 $0x8F2B, s0  }
0xbc: {  	[sflag:s0] =	ssyncadd.remote.s32 $0x1  }
0xbd: {  	_ =	sfence.sel $0xFFFF  }
0xbe: {  	[dreg:$0x0] =	wrdreg $0xFFFFFFFF;
	(pc) =	sbr.abs _section_cstart, $3  }
0xbf: {  	[dreg:$0x1] =	wrdreg $0xFFFFFFFF  }
0xc0: {  	_ =	task.clear_ibuf [dreg:s6], $0x2FFFF;
	_ =	strace $0x9FFFFFFF  }
0xc1: {  	(tm) =	ssettm $0x7FFFFFFF  }
tec
execute0_lowered:
.L_overlay_start_1:
0x0: {  	(tag) =	ssettag $0x1  }
0x1: {  	s0 =	srdreg.scid  }
0x2: {  	s1 =	stileid.u32;
	s4 =	rddreg [dreg:$0x0]  }
0x3: {  	s2 =	simm.s32 $0x0;
	s8 =	simm.s32 $0x3;
	s21 =	simm.s32 $0xC400  }
0x4: {  	s22 =	simm.s32 $0xCC00;
	s23 =	simm.s32 $0xD400;
	s24 =	simm.s32 $0xDC00  }
0x5: {  	s25 =	simm.s32 $0xE400;
	s28 =	simm.s32 $0xF400;
	s29 =	simm.s32 $0xFC00  }
0x6: {  	s30 =	simm.s32 $0x10400;
	s31 =	simm.s32 $0x10C00;
	s7 =	simm.s32 $0x1  }
0x7: {  	s9 =	simm.s32 $0x2;
	s0 =	sand.u32 $0x1, s0;
	s1 =	sshll.u32 s1, $0x1  }
0x8: {  	s10 =	simm.s32 $0x13400;
	s1 =	sor.u32 s0, s1;
	s0 =	ssub.s32 $0x2, s0  }
0x9: {  	[smem:$0x7FF] =	sst s2;
	s3 =	smul.u32 $0xC80, s1;
	s5 =	sshrl.u32 s0, $0x1  }
0xa: {  	s12 =	simm.s32 $0x0;
	_ =	strace $0x80000047;
	s0 =	ssub.s32 s0, s5  }
0xb: {  	s5 =	sshll.u32 s1, $0x7;
	s1 =	simm.s32 $0x11400;
	s6 =	sadd.s32 s3, s4  }
0xc: {  	v2 =	vlaneseq.u32;
	s3 =	sadd.s32 $0x494E00, s4;
	s4 =	sadd.s32 $0x1A000, s4;
	s0 =	smax.u32 s0, $0x1  }
0xd: {  	vm0 =	vmmov $0xffff;
	v1 =	vshrl.u32 v2, $0x3;
	s26 =	sadd.s32 $0x1000, s6;
	[dreg:$0x3] =	wrdreg s0;
	s0 =	simm.s32 $0x11C00  }
0xe: {  	v0 =	vand.u32 $0x7, v2;
	v2 =	vor.u32 $0x8, v2;
	v1 =	vmul.u32 $0x8, v1;
	s6 =	simm.s32 $0x12400;
	[dreg:$0x2] =	wrdreg s26;
	s26 =	simm.s32 $0xEC00  }
.LBB2_1:
0xf: {  	[dreg:$0x4] =	wrdreg s12  }
0x10: {  	s11 =	rddreg [dreg:$0x2]  }
0x11: {  	[tilespmem:s2], [sflag:$0x3] =	stream.linear.gather [hbm4b:s11+s2], $0x6400, $0x38;
	[tilespmem:$0x13580] =	vst v63  }
0x12: {  	_ =	swait.ge [sflag:s8], $0x6400  }
0x13: {  	[sflag:s8] =	ssyncset.done $0x0  }
0x14: {  	[sflag:s8] =	ssyncadd.s32 $0xFFFF9C00  }
0x15: {  	v3 =	vld [tilespmem:$0x0];
	_ =	sdelay $0x4  }
0x16: {  	v4 =	vshll.u32 v3, $0x1  }
0x17: {  	v3 =	vand.u32 $0x7, v3;
	v4 =	vand.u32 $0xFFFFFFF0, v4  }
0x18: {  	v3 =	vor.u32 v3, v4  }
0x19: {  	v4 =	vperm.xlane v3, v0;
	_ =	sdelay $0x1  }
0x1a: {  	v3 =	vperm.xlane v3, v2;
	v4 =	vadd.s32 v1, v4;
	_ =	sdelay $0x1  }
0x1b: {  	v3 =	vadd.s32 v1, v3;
	_ =	sdelay $0x1  }
0x1c: {  	s18 =	simm.s32 $0x6400  }
0x1d: {  	[tilespmem:s18], [sflag:$0x1] =	stream.indirect_vreg.gather [hbm4b:s3+s2], $0x80, v4, vm0, $0xb8;
	[tilespmem:$0x13580] =	vst v63  }
0x1e: {  	s19 =	simm.s32 $0x6C00  }
0x1f: {  	[tilespmem:s19], [sflag:$0x1] =	stream.indirect_vreg.gather [hbm4b:s3+s2], $0x80, v3, vm0, $0xb8;
	[tilespmem:$0x13580] =	vst v63  }
0x20: {  	v3 =	vld [tilespmem:$0x10];
	_ =	sdelay $0x4  }
0x21: {  	v58 =	vshll.u32 v3, $0x1  }
0x22: {  	v3 =	vand.u32 $0x7, v3;
	v4 =	vand.u32 $0xFFFFFFF0, v58  }
0x23: {  	v3 =	vor.u32 v3, v4  }
0x24: {  	v4 =	vperm.xlane v3, v0;
	_ =	sdelay $0x1  }
0x25: {  	v3 =	vperm.xlane v3, v2;
	v4 =	vadd.s32 v1, v4;
	_ =	sdelay $0x1  }
0x26: {  	v3 =	vadd.s32 v1, v3;
	_ =	sdelay $0x1  }
0x27: {  	s20 =	simm.s32 $0x7400  }
0x28: {  	[tilespmem:s20], [sflag:$0x1] =	stream.indirect_vreg.gather [hbm4b:s3+s2], $0x80, v4, vm0, $0xb8;
	[tilespmem:$0x13580] =	vst v63  }
0x29: {  	s12 =	simm.s32 $0x7C00  }
0x2a: {  	[tilespmem:s12], [sflag:$0x1] =	stream.indirect_vreg.gather [hbm4b:s3+s2], $0x80, v3, vm0, $0xb8;
	[tilespmem:$0x13580] =	vst v63  }
0x2b: {  	v3 =	vld [tilespmem:$0x20];
	_ =	sdelay $0x4  }
0x2c: {  	v59 =	vshll.u32 v3, $0x1  }
0x2d: {  	v3 =	vand.u32 $0x7, v3;
	v4 =	vand.u32 $0xFFFFFFF0, v59  }
0x2e: {  	v3 =	vor.u32 v3, v4  }
0x2f: {  	v4 =	vperm.xlane v3, v0;
	_ =	sdelay $0x1  }
0x30: {  	v3 =	vperm.xlane v3, v2;
	v4 =	vadd.s32 v1, v4;
	_ =	sdelay $0x1  }
0x31: {  	v3 =	vadd.s32 v1, v3;
	_ =	sdelay $0x1  }
0x32: {  	s13 =	simm.s32 $0x8400  }
0x33: {  	[tilespmem:s13], [sflag:$0x1] =	stream.indirect_vreg.gather [hbm4b:s3+s2], $0x80, v4, vm0, $0xb8;
	[tilespmem:$0x13580] =	vst v63  }
0x34: {  	s14 =	simm.s32 $0x8C00  }
0x35: {  	[tilespmem:s14], [sflag:$0x1] =	stream.indirect_vreg.gather [hbm4b:s3+s2], $0x80, v3, vm0, $0xb8;
	[tilespmem:$0x13580] =	vst v63  }
0x36: {  	v3 =	vld [tilespmem:$0x30];
	_ =	sdelay $0x4  }
0x37: {  	v60 =	vshll.u32 v3, $0x1  }
0x38: {  	v3 =	vand.u32 $0x7, v3;
	v4 =	vand.u32 $0xFFFFFFF0, v60  }
0x39: {  	v3 =	vor.u32 v3, v4  }
0x3a: {  	v4 =	vperm.xlane v3, v0;
	_ =	sdelay $0x1  }
0x3b: {  	v3 =	vperm.xlane v3, v2;
	v4 =	vadd.s32 v1, v4;
	_ =	sdelay $0x1  }
0x3c: {  	v3 =	vadd.s32 v1, v3;
	_ =	sdelay $0x1  }
0x3d: {  	s15 =	simm.s32 $0x9400  }
0x3e: {  	[tilespmem:s15], [sflag:$0x1] =	stream.indirect_vreg.gather [hbm4b:s3+s2], $0x80, v4, vm0, $0xb8;
	[tilespmem:$0x13580] =	vst v63  }
0x3f: {  	s16 =	simm.s32 $0x9C00  }
0x40: {  	[tilespmem:s16], [sflag:$0x1] =	stream.indirect_vreg.gather [hbm4b:s3+s2], $0x80, v3, vm0, $0xb8;
	[tilespmem:$0x13580] =	vst v63  }
0x41: {  	v3 =	vld [tilespmem:$0x40];
	_ =	sdelay $0x4  }
0x42: {  	v61 =	vshll.u32 v3, $0x1  }
0x43: {  	v3 =	vand.u32 $0x7, v3;
	v4 =	vand.u32 $0xFFFFFFF0, v61  }
0x44: {  	v3 =	vor.u32 v3, v4  }
0x45: {  	v4 =	vperm.xlane v3, v0;
	_ =	sdelay $0x1  }
0x46: {  	v3 =	vperm.xlane v3, v2;
	v4 =	vadd.s32 v1, v4;
	_ =	sdelay $0x1  }
0x47: {  	v3 =	vadd.s32 v1, v3;
	_ =	sdelay $0x1  }
0x48: {  	s17 =	simm.s32 $0xA400  }
0x49: {  	[tilespmem:s17], [sflag:$0x1] =	stream.indirect_vreg.gather [hbm4b:s3+s2], $0x80, v4, vm0, $0xb8;
	[tilespmem:$0x13580] =	vst v63  }
0x4a: {  	s18 =	simm.s32 $0xAC00  }
0x4b: {  	[tilespmem:s18], [sflag:$0x1] =	stream.indirect_vreg.gather [hbm4b:s3+s2], $0x80, v3, vm0, $0xb8;
	[tilespmem:$0x13580] =	vst v63  }
0x4c: {  	v3 =	vld [tilespmem:$0x50];
	_ =	sdelay $0x4  }
0x4d: {  	v62 =	vshll.u32 v3, $0x1  }
0x4e: {  	v3 =	vand.u32 $0x7, v3;
	v4 =	vand.u32 $0xFFFFFFF0, v62  }
0x4f: {  	v3 =	vor.u32 v3, v4  }
0x50: {  	v4 =	vperm.xlane v3, v0;
	_ =	sdelay $0x1  }
0x51: {  	v3 =	vperm.xlane v3, v2;
	v4 =	vadd.s32 v1, v4;
	_ =	sdelay $0x1  }
0x52: {  	v3 =	vadd.s32 v1, v3;
	_ =	sdelay $0x1  }
0x53: {  	s19 =	simm.s32 $0xB400  }
0x54: {  	[tilespmem:s19], [sflag:$0x1] =	stream.indirect_vreg.gather [hbm4b:s3+s2], $0x80, v4, vm0, $0xb8;
	[tilespmem:$0x13580] =	vst v63  }
0x55: {  	s20 =	simm.s32 $0xBC00  }
0x56: {  	[tilespmem:s20], [sflag:$0x1] =	stream.indirect_vreg.gather [hbm4b:s3+s2], $0x80, v3, vm0, $0xb8;
	[tilespmem:$0x13580] =	vst v63  }
0x57: {  	v3 =	vld.msk [tilespmem:$0x60], $0xff;
	_ =	sdelay $0x4  }
0x58: {  	v63 =	vshll.u32 v3, $0x1  }
0x59: {  	v3 =	vand.u32 $0x7, v3;
	v4 =	vand.u32 $0xFFFFFFF0, v63  }
0x5a: {  	v3 =	vor.u32 v3, v4  }
0x5b: {  	v3 =	vperm.xlane v3, v0;
	_ =	sdelay $0x1  }
0x5c: {  	v3 =	vadd.s32 v1, v3;
	_ =	sdelay $0x3  }
0x5d: {  	s11 =	simm.s32 $0x0  }
0x5e: {  	[tilespmem:s21], [sflag:$0x1] =	stream.indirect_vreg.gather [hbm4b:s3+s2], $0x80, v3, vm0, $0xb8;
	[tilespmem:$0x13580] =	vst v63  }
.LBB2_2:
0x5f: {  	s12 =	smul.u32 $0x320, s11;
	_ =	sdelay $0x1  }
0x60: {  	s12 =	sshra.s32 s12, $0x2  }
0x61: {  	v3 =	vld [tilespmem:s12+$0x68];
	_ =	sdelay $0x4  }
0x62: {  	v4 =	vshll.u32 v3, $0x1  }
0x63: {  	v3 =	vand.u32 $0x7, v3;
	v4 =	vand.u32 $0xFFFFFFF0, v4  }
0x64: {  	v3 =	vor.u32 v3, v4  }
0x65: {  	v4 =	vperm.xlane v3, v0;
	_ =	sdelay $0x1  }
0x66: {  	v3 =	vperm.xlane v3, v2;
	v4 =	vadd.s32 v1, v4;
	_ =	sdelay $0x1  }
0x67: {  	v3 =	vadd.s32 v1, v3;
	_ =	sdelay $0x1  }
0x68: {  	s13 =	simm.s32 $0x0  }
0x69: {  	[tilespmem:s22], [sflag:$0x2] =	stream.indirect_vreg.gather [hbm4b:s3+s13], $0x80, v4, vm0, $0xb8;
	[tilespmem:$0x13580] =	vst v63  }
0x6a: {  	_ = 	snop  }
0x6b: {  	[tilespmem:s23], [sflag:$0x2] =	stream.indirect_vreg.gather [hbm4b:s3+s13], $0x80, v3, vm0, $0xb8;
	[tilespmem:$0x13580] =	vst v63  }
0x6c: {  	v3 =	vld [tilespmem:s12+$0x78];
	_ =	sdelay $0x4  }
0x6d: {  	v4 =	vshll.u32 v3, $0x1  }
0x6e: {  	v3 =	vand.u32 $0x7, v3;
	v4 =	vand.u32 $0xFFFFFFF0, v4  }
0x6f: {  	v3 =	vor.u32 v3, v4  }
0x70: {  	v4 =	vperm.xlane v3, v0;
	_ =	sdelay $0x1  }
0x71: {  	v3 =	vperm.xlane v3, v2;
	v4 =	vadd.s32 v1, v4;
	_ =	sdelay $0x1  }
0x72: {  	v3 =	vadd.s32 v1, v3;
	_ =	sdelay $0x2  }
0x73: {  	[tilespmem:s24], [sflag:$0x2] =	stream.indirect_vreg.gather [hbm4b:s3+s13], $0x80, v4, vm0, $0xb8;
	[tilespmem:$0x13580] =	vst v63  }
0x74: {  	_ = 	snop  }
0x75: {  	[tilespmem:s25], [sflag:$0x2] =	stream.indirect_vreg.gather [hbm4b:s3+s13], $0x80, v3, vm0, $0xb8;
	[tilespmem:$0x13580] =	vst v63  }
0x76: {  	v3 =	vld [tilespmem:s12+$0x88];
	_ =	sdelay $0x4  }
0x77: {  	v4 =	vshll.u32 v3, $0x1  }
0x78: {  	v3 =	vand.u32 $0x7, v3;
	v4 =	vand.u32 $0xFFFFFFF0, v4  }
0x79: {  	v3 =	vor.u32 v3, v4  }
0x7a: {  	v4 =	vperm.xlane v3, v0;
	_ =	sdelay $0x1  }
0x7b: {  	v3 =	vperm.xlane v3, v2;
	v4 =	vadd.s32 v1, v4;
	_ =	sdelay $0x1  }
0x7c: {  	v3 =	vadd.s32 v1, v3;
	_ =	sdelay $0x2  }
0x7d: {  	[tilespmem:s26], [sflag:$0x2] =	stream.indirect_vreg.gather [hbm4b:s3+s13], $0x80, v4, vm0, $0xb8;
	[tilespmem:$0x13580] =	vst v63  }
0x7e: {  	_ = 	snop  }
0x7f: {  	[tilespmem:s28], [sflag:$0x2] =	stream.indirect_vreg.gather [hbm4b:s3+s13], $0x80, v3, vm0, $0xb8;
	[tilespmem:$0x13580] =	vst v63  }
0x80: {  	v3 =	vld [tilespmem:s12+$0x98];
	_ =	sdelay $0x4  }
0x81: {  	v4 =	vshll.u32 v3, $0x1  }
0x82: {  	v3 =	vand.u32 $0x7, v3;
	v4 =	vand.u32 $0xFFFFFFF0, v4  }
0x83: {  	v3 =	vor.u32 v3, v4  }
0x84: {  	v4 =	vperm.xlane v3, v0;
	_ =	sdelay $0x1  }
0x85: {  	v3 =	vperm.xlane v3, v2;
	v4 =	vadd.s32 v1, v4;
	_ =	sdelay $0x1  }
0x86: {  	v3 =	vadd.s32 v1, v3;
	_ =	sdelay $0x2  }
0x87: {  	[tilespmem:s29], [sflag:$0x2] =	stream.indirect_vreg.gather [hbm4b:s3+s13], $0x80, v4, vm0, $0xb8;
	[tilespmem:$0x13580] =	vst v63  }
0x88: {  	_ = 	snop  }
0x89: {  	[tilespmem:s30], [sflag:$0x2] =	stream.indirect_vreg.gather [hbm4b:s3+s13], $0x80, v3, vm0, $0xb8;
	[tilespmem:$0x13580] =	vst v63  }
0x8a: {  	v3 =	vld [tilespmem:s12+$0xA8];
	_ =	sdelay $0x4  }
0x8b: {  	v4 =	vshll.u32 v3, $0x1  }
0x8c: {  	v3 =	vand.u32 $0x7, v3;
	v4 =	vand.u32 $0xFFFFFFF0, v4  }
0x8d: {  	v3 =	vor.u32 v3, v4  }
0x8e: {  	v4 =	vperm.xlane v3, v0;
	_ =	sdelay $0x1  }
0x8f: {  	v3 =	vperm.xlane v3, v2;
	v4 =	vadd.s32 v1, v4;
	_ =	sdelay $0x1  }
0x90: {  	v3 =	vadd.s32 v1, v3;
	_ =	sdelay $0x2  }
0x91: {  	[tilespmem:s31], [sflag:$0x2] =	stream.indirect_vreg.gather [hbm4b:s3+s13], $0x80, v4, vm0, $0xb8;
	[tilespmem:$0x13580] =	vst v63  }
0x92: {  	_ = 	snop  }
0x93: {  	[tilespmem:s1], [sflag:$0x2] =	stream.indirect_vreg.gather [hbm4b:s3+s13], $0x80, v3, vm0, $0xb8;
	[tilespmem:$0x13580] =	vst v63  }
0x94: {  	v3 =	vld [tilespmem:s12+$0xB8];
	_ =	sdelay $0x4  }
0x95: {  	v4 =	vshll.u32 v3, $0x1  }
0x96: {  	v3 =	vand.u32 $0x7, v3;
	v4 =	vand.u32 $0xFFFFFFF0, v4  }
0x97: {  	v3 =	vor.u32 v3, v4  }
0x98: {  	v4 =	vperm.xlane v3, v0;
	_ =	sdelay $0x1  }
0x99: {  	v3 =	vperm.xlane v3, v2;
	v4 =	vadd.s32 v1, v4;
	_ =	sdelay $0x1  }
0x9a: {  	v3 =	vadd.s32 v1, v3;
	_ =	sdelay $0x2  }
0x9b: {  	[tilespmem:s0], [sflag:$0x2] =	stream.indirect_vreg.gather [hbm4b:s3+s13], $0x80, v4, vm0, $0xb8;
	[tilespmem:$0x13580] =	vst v63  }
0x9c: {  	_ = 	snop  }
0x9d: {  	[tilespmem:s6], [sflag:$0x2] =	stream.indirect_vreg.gather [hbm4b:s3+s13], $0x80, v3, vm0, $0xb8;
	[tilespmem:$0x13580] =	vst v63  }
0x9e: {  	_ =	swait.ge [sflag:s7], $0x6800  }
0x9f: {  	s20 =	sand.u32 $0x7800, s13;
	s13 =	sand.u32 $0x300, s13;
	[sflag:s7] =	ssyncset.done $0x0  }
0xa0: {  	s12 =	sor.u32 s13, s20;
	[sflag:s7] =	ssyncadd.s32 $0xFFFF9800  }
0xa1: {  	v3 =	vld [tilespmem:s12+$0x6480]  }
0xa2: {  	v5 =	vld [tilespmem:s12+$0x6490]  }
0xa3: {  	v6 =	vld [tilespmem:s12+$0x64A0]  }
0xa4: {  	v7 =	vld [tilespmem:s12+$0x64D0]  }
0xa5: {  	v11 =	vld [tilespmem:s12+$0x6880]  }
0xa6: {  	v13 =	vld [tilespmem:s12+$0x64E0]  }
0xa7: {  	v14 =	vld [tilespmem:s12+$0x6470]  }
0xa8: {  	v15 =	vld [tilespmem:s12+$0x6410]  }
0xa9: {  	v19 =	vld [tilespmem:s12+$0x6420]  }
0xaa: {  	v30 =	vimm.f32 $0.0e+00;
	v26 =	vimm.f32 $0.0e+00;
	v20 =	vld [tilespmem:s12+$0x6430]  }
0xab: {  	v27 =	vimm.f32 $0.0e+00;
	v29 =	vimm.f32 $0.0e+00;
	v32 =	vimm.f32 $0.0e+00;
	v22 =	vld [tilespmem:s12+$0x6450]  }
0xac: {  	v33 =	vimm.f32 $0.0e+00;
	v24 =	vld [tilespmem:s12+$0x64F0];
	v4 =	vunpack.i.l.bf16.f32 v3;
	v3 =	vunpack.i.u.bf16.f32 v3  }
0xad: {  	v37 =	vld [tilespmem:s12+$0x6460];
	v8 =	vunpack.i.u.bf16.f32 v6;
	v10 =	vunpack.i.l.bf16.f32 v6;
	v21 =	vunpack.i.u.bf16.f32 v5  }
0xae: {  	v46 =	vld [tilespmem:s12+$0x6810];
	v5 =	vunpack.i.l.bf16.f32 v5;
	v12 =	vunpack.i.l.bf16.f32 v13;
	v9 =	vunpack.i.l.bf16.f32 v11  }
0xaf: {  	v16 =	vunpack.i.u.bf16.f32 v14;
	v17 =	vunpack.i.l.bf16.f32 v15;
	v23 =	vunpack.i.l.bf16.f32 v7  }
0xb0: {  	v18 =	vunpack.i.u.bf16.f32 v13;
	v13 =	vunpack.i.l.bf16.f32 v14;
	v45 =	vunpack.i.u.bf16.f32 v19  }
0xb1: {  	v41 =	vunpack.i.u.bf16.f32 v22;
	v35 =	vunpack.i.u.bf16.f32 v7;
	v36 =	vunpack.i.l.bf16.f32 v19  }
0xb2: {  	v7 =	vunpack.i.u.bf16.f32 v37;
	v48 =	vunpack.i.u.bf16.f32 v24;
	v47 =	vunpack.i.l.bf16.f32 v20  }
0xb3: {  	v43 =	vunpack.i.u.bf16.f32 v46;
	v38 =	vadd.f32 v16, v30;
	v25 =	vadd.f32 v17, v30  }
0xb4: {  	v6 =	vld [tilespmem:s12+$0x6440];
	v16 =	vunpack.i.u.bf16.f32 v11;
	v11 =	vunpack.i.u.bf16.f32 v15;
	v17 =	vunpack.i.u.bf16.f32 v20  }
0xb5: {  	v13 =	vadd.f32 v13, v30;
	v28 =	vadd.f32 v7, v30;
	v7 =	vunpack.i.l.bf16.f32 v24  }
0xb6: {  	v31 =	vld [tilespmem:s12+$0x6400];
	v15 =	vimm.f32 $0.0e+00;
	v24 =	vimm.f32 $0.0e+00;
	v20 =	vimm.f32 $0.0e+00  }
0xb7: {  	v39 =	vld [tilespmem:s12+$0x6800];
	v14 =	vadd.f32 v11, v30;
	v11 =	vunpack.i.l.bf16.f32 v22;
	v22 =	vimm.f32 $0.0e+00  }
0xb8: {  	v42 =	vld [tilespmem:s12+$0x64B0];
	v40 =	vadd.f32 v11, v30;
	v11 =	vadd.f32 v7, v13;
	v7 =	vimm.f32 $0.0e+00  }
0xb9: {  	v19 =	vld [tilespmem:s12+$0x64C0];
	v13 =	vimm.f32 $0.0e+00;
	v44 =	vunpack.i.l.bf16.f32 v6;
	v6 =	vunpack.i.u.bf16.f32 v6  }
0xba: {  	s15 =	simm.s32 $0x100;
	v34 =	vadd.f32 v6, v30;
	v6 =	vadd.f32 v21, v14;
	v14 =	vld [tilespmem:s12+$0x6890];
	s12 =	simm.s32 $0x200;
	v21 =	vimm.f32 $0.0e+00  }
.LBB2_3:
0xbb: {  	s13 =	smov.u32 s15  }
0xbc: {  	s14 =	sand.u32 $0x7800, s12;
	s16 =	sand.u32 $0x300, s15;
	v49 =	vunpack.i.u.bf16.f32 v31;
	v30 =	vadd.f32 v45, v30;
	v45 =	vunpack.i.l.bf16.f32 v46;
	s13 =	sadd.s32 $0x100, s15  }
0xbd: {  	p0 =	sne.s32 s15, $0x3300;
	v26 =	vadd.f32 v44, v26;
	v37 =	vunpack.i.l.bf16.f32 v37;
	v38 =	vadd.f32 v48, v38;
	s14 =	sor.u32 s16, s14  }
0xbe: {  	v15 =	vadd.f32 v47, v15;
	v47 =	vunpack.i.l.bf16.f32 v19;
	v46 =	vunpack.i.l.bf16.f32 v39;
	v44 =	vld [tilespmem:s14+$0x6480]  }
0xbf: {  	v31 =	vunpack.i.l.bf16.f32 v31;
	v27 =	vadd.f32 v41, v27;
	v41 =	vunpack.i.u.bf16.f32 v14;
	v48 =	vld [tilespmem:s14+$0x6490]  }
0xc0: {  	v13 =	vadd.f32 v45, v13;
	v7 =	vadd.f32 v46, v7;
	v45 =	vunpack.i.l.bf16.f32 v42;
	v50 =	vld [tilespmem:s14+$0x64A0]  }
0xc1: {  	v14 =	vunpack.i.l.bf16.f32 v14;
	v26 =	vadd.f32 v47, v26;
	v15 =	vadd.f32 v45, v15;
	v51 =	vld [tilespmem:s14+$0x64D0]  }
0xc2: {  	v13 =	vadd.f32 v14, v13;
	v7 =	vadd.f32 v9, v7;
	v45 =	vld [tilespmem:s14+$0x6880]  }
0xc3: {  	v40 =	vadd.f32 v23, v40;
	v42 =	vunpack.i.u.bf16.f32 v42;
	v9 =	vadd.f32 v43, v24;
	v46 =	vld [tilespmem:s14+$0x64E0]  }
0xc4: {  	v25 =	vadd.f32 v5, v25;
	v39 =	vunpack.i.u.bf16.f32 v39;
	v27 =	vadd.f32 v35, v27;
	v23 =	vld [tilespmem:s14+$0x64C0]  }
0xc5: {  	v5 =	vadd.f32 v36, v22;
	v24 =	vadd.f32 v41, v9;
	v35 =	vunpack.i.l.bf16.f32 v44;
	v14 =	vld [tilespmem:s14+$0x6890]  }
0xc6: {  	v19 =	vunpack.i.u.bf16.f32 v19;
	v9 =	vadd.f32 v31, v29;
	v41 =	vunpack.i.u.bf16.f32 v44;
	v36 =	vld [tilespmem:s14+$0x6470]  }
0xc7: {  	v22 =	vadd.f32 v10, v5;
	v44 =	vunpack.i.u.bf16.f32 v50;
	v10 =	vunpack.i.l.bf16.f32 v50;
	v43 =	vld [tilespmem:s14+$0x6410]  }
0xc8: {  	v32 =	vadd.f32 v49, v32;
	v34 =	vadd.f32 v19, v34;
	v50 =	vunpack.i.u.bf16.f32 v48;
	v47 =	vld [tilespmem:s14+$0x6420]  }
0xc9: {  	v21 =	vadd.f32 v37, v21;
	v33 =	vadd.f32 v39, v33;
	v5 =	vunpack.i.l.bf16.f32 v48;
	v31 =	vld [tilespmem:s14+$0x6400];
	v19 =	vmovc v23  }
0xca: {  	v28 =	vadd.f32 v18, v28;
	v29 =	vadd.f32 v4, v9;
	v4 =	vmovc v35;
	v23 =	vunpack.i.l.bf16.f32 v46;
	v39 =	vld [tilespmem:s14+$0x6430]  }
0xcb: {  	v30 =	vadd.f32 v8, v30;
	v21 =	vadd.f32 v12, v21;
	v8 =	vmovc v44;
	v9 =	vunpack.i.l.bf16.f32 v45;
	v12 =	vmovc v23;
	v49 =	vld [tilespmem:s14+$0x6440]  }
0xcc: {  	v17 =	vadd.f32 v17, v20;
	v23 =	vunpack.i.l.bf16.f32 v51;
	v18 =	vunpack.i.u.bf16.f32 v36;
	v35 =	vld [tilespmem:s14+$0x6450]  }
0xcd: {  	v32 =	vadd.f32 v3, v32;
	v3 =	vmovc v41;
	v20 =	vunpack.i.l.bf16.f32 v43;
	v38 =	vadd.f32 v18, v38;
	v52 =	vld [tilespmem:s14+$0x64F0]  }
0xce: {  	v18 =	vunpack.i.u.bf16.f32 v46;
	v25 =	vadd.f32 v20, v25;
	v20 =	vadd.f32 v42, v17;
	v37 =	vld [tilespmem:s14+$0x6460]  }
0xcf: {  	v33 =	vadd.f32 v16, v33;
	v16 =	vunpack.i.u.bf16.f32 v45;
	v36 =	vunpack.i.l.bf16.f32 v36  }
0xd0: {  	v41 =	vunpack.i.u.bf16.f32 v43;
	v17 =	vunpack.i.u.bf16.f32 v39;
	v44 =	vunpack.i.l.bf16.f32 v49  }
0xd1: {  	v6 =	vadd.f32 v41, v6;
	v45 =	vunpack.i.u.bf16.f32 v47;
	v41 =	vunpack.i.u.bf16.f32 v35;
	v46 =	vld [tilespmem:s14+$0x6810]  }
.Ltmp0:
0xd2: {  	v11 =	vadd.f32 v36, v11;
	v42 =	vunpack.i.l.bf16.f32 v35;
	v35 =	vunpack.i.u.bf16.f32 v51;
	(pc) =	sbr.rel @p0 .LBB2_3-.Ltmp0, $4  }
0xd3: {  	v36 =	vunpack.i.l.bf16.f32 v47;
	v48 =	vunpack.i.u.bf16.f32 v52;
	v43 =	vunpack.i.u.bf16.f32 v37  }
0xd4: {  	v47 =	vunpack.i.l.bf16.f32 v39;
	v28 =	vadd.f32 v43, v28;
	v39 =	vld [tilespmem:s14+$0x6800];
	v43 =	vunpack.i.l.bf16.f32 v52  }
0xd5: {  	v49 =	vunpack.i.u.bf16.f32 v49;
	v40 =	vadd.f32 v42, v40;
	v11 =	vadd.f32 v43, v11  }
0xd6: {  	s12 =	sadd.s32 $0x200, s12;
	s15 =	smov.u32 s13;
	v6 =	vadd.f32 v50, v6;
	v34 =	vadd.f32 v49, v34;
	v43 =	vunpack.i.u.bf16.f32 v46;
	v42 =	vld [tilespmem:s14+$0x64B0]  }
0xd7: {  	v45 =	vadd.f32 v45, v30;
	v26 =	vadd.f32 v44, v26  }
0xd8: {  	v57 =	vunpack.i.l.bf16.f32 v46;
	v30 =	vadd.f32 v48, v38;
	v15 =	vadd.f32 v47, v15  }
0xd9: {  	v59 =	vunpack.i.l.bf16.f32 v19;
	v27 =	vadd.f32 v41, v27;
	v61 =	vunpack.i.u.bf16.f32 v31  }
0xda: {  	v37 =	vunpack.i.l.bf16.f32 v37;
	v24 =	vadd.f32 v43, v24;
	v22 =	vadd.f32 v36, v22  }
0xdb: {  	v60 =	vadd.f32 v57, v13;
	v63 =	vadd.f32 v37, v21;
	v58 =	vunpack.i.l.bf16.f32 v39  }
0xdc: {  	v13 =	vadd.f32 v59, v26;
	v26 =	vunpack.i.l.bf16.f32 v14;
	v38 =	vadd.f32 v58, v7  }
0xdd: {  	v26 =	vadd.f32 v26, v60;
	v12 =	vadd.f32 v12, v63;
	v7 =	vunpack.i.l.bf16.f32 v42  }
0xde: {  	v62 =	vunpack.i.u.bf16.f32 v19;
	v7 =	vadd.f32 v7, v15;
	v15 =	vadd.f32 v9, v38  }
0xdf: {  	v9 =	vadd.f32 v23, v40;
	v23 =	vunpack.i.u.bf16.f32 v14;
	v14 =	vadd.f32 v5, v25  }
0xe0: {  	v25 =	vunpack.i.l.bf16.f32 v31;
	v5 =	vadd.f32 v35, v27;
	v31 =	vadd.f32 v10, v22  }
0xe1: {  	p0 =	seq.s32 s11, $0x7F;
	v10 =	vadd.f32 v62, v34;
	v27 =	vadd.f32 v23, v24  }
.Ltmp1:
0xe2: {  	v22 =	vunpack.i.u.bf16.f32 v39;
	v23 =	vadd.f32 v25, v29;
	v24 =	vadd.f32 v61, v32;
	(pc) =	sbr.rel @p0 .LBB2_6-.Ltmp1, $4  }
0xe3: {  	v22 =	vadd.f32 v22, v33;
	v33 =	vadd.f32 v8, v45  }
0xe4: {  	v8 =	vadd.f32 v17, v20;
	v21 =	vadd.f32 v4, v23  }
0xe5: {  	v17 =	vunpack.i.u.bf16.f32 v42;
	v4 =	vadd.f32 v18, v28;
	v25 =	vadd.f32 v3, v24  }
0xe6: {  	s12 =	sadd.s32 $0x1, s11;
	v8 =	vadd.f32 v17, v8;
	v3 =	vadd.f32 v16, v22  }
0xe7: {  	s13 =	smul.u32 $0x320, s12;
	_ =	sdelay $0x1  }
0xe8: {  	s13 =	sshra.s32 s13, $0x2  }
0xe9: {  	v16 =	vld [tilespmem:s13+$0x0];
	_ =	sdelay $0x4  }
0xea: {  	v17 =	vshll.u32 v16, $0x1  }
0xeb: {  	v16 =	vand.u32 $0x7, v16;
	v17 =	vand.u32 $0xFFFFFFF0, v17  }
0xec: {  	v16 =	vor.u32 v16, v17  }
0xed: {  	v17 =	vperm.xlane v16, v0;
	_ =	sdelay $0x1  }
0xee: {  	v16 =	vperm.xlane v16, v2;
	v17 =	vadd.s32 v1, v17;
	_ =	sdelay $0x1  }
0xef: {  	v16 =	vadd.s32 v1, v16;
	_ =	sdelay $0x1  }
0xf0: {  	s14 =	simm.s32 $0x6400  }
0xf1: {  	[tilespmem:s14], [sflag:$0x1] =	stream.indirect_vreg.gather [hbm4b:s3+s2], $0x80, v17, vm0, $0xb8;
	[tilespmem:$0x13580] =	vst v63  }
0xf2: {  	s16 =	simm.s32 $0x6C00  }
0xf3: {  	[tilespmem:s16], [sflag:$0x1] =	stream.indirect_vreg.gather [hbm4b:s3+s2], $0x80, v16, vm0, $0xb8;
	[tilespmem:$0x13580] =	vst v63  }
0xf4: {  	v16 =	vld [tilespmem:s13+$0x10];
	_ =	sdelay $0x4  }
0xf5: {  	v17 =	vshll.u32 v16, $0x1  }
0xf6: {  	v16 =	vand.u32 $0x7, v16;
	v17 =	vand.u32 $0xFFFFFFF0, v17  }
0xf7: {  	v16 =	vor.u32 v16, v17  }
0xf8: {  	v17 =	vperm.xlane v16, v0;
	_ =	sdelay $0x1  }
0xf9: {  	v16 =	vperm.xlane v16, v2;
	v17 =	vadd.s32 v1, v17;
	_ =	sdelay $0x1  }
0xfa: {  	v16 =	vadd.s32 v1, v16;
	_ =	sdelay $0x1  }
0xfb: {  	s17 =	simm.s32 $0x7400  }
0xfc: {  	[tilespmem:s17], [sflag:$0x1] =	stream.indirect_vreg.gather [hbm4b:s3+s2], $0x80, v17, vm0, $0xb8;
	[tilespmem:$0x13580] =	vst v63  }
0xfd: {  	s18 =	simm.s32 $0x7C00  }
0xfe: {  	[tilespmem:s18], [sflag:$0x1] =	stream.indirect_vreg.gather [hbm4b:s3+s2], $0x80, v16, vm0, $0xb8;
	[tilespmem:$0x13580] =	vst v63  }
0xff: {  	v16 =	vld [tilespmem:s13+$0x20];
	_ =	sdelay $0x4  }
0x100: {  	v17 =	vshll.u32 v16, $0x1  }
0x101: {  	v16 =	vand.u32 $0x7, v16;
	v17 =	vand.u32 $0xFFFFFFF0, v17  }
0x102: {  	v16 =	vor.u32 v16, v17  }
0x103: {  	v17 =	vperm.xlane v16, v0;
	_ =	sdelay $0x1  }
0x104: {  	v16 =	vperm.xlane v16, v2;
	v17 =	vadd.s32 v1, v17;
	_ =	sdelay $0x1  }
0x105: {  	v16 =	vadd.s32 v1, v16;
	_ =	sdelay $0x1  }
0x106: {  	s19 =	simm.s32 $0x8400  }
0x107: {  	[tilespmem:s19], [sflag:$0x1] =	stream.indirect_vreg.gather [hbm4b:s3+s2], $0x80, v17, vm0, $0xb8;
	[tilespmem:$0x13580] =	vst v63  }
0x108: {  	s20 =	simm.s32 $0x8C00  }
0x109: {  	[tilespmem:s20], [sflag:$0x1] =	stream.indirect_vreg.gather [hbm4b:s3+s2], $0x80, v16, vm0, $0xb8;
	[tilespmem:$0x13580] =	vst v63  }
0x10a: {  	v16 =	vld [tilespmem:s13+$0x30];
	_ =	sdelay $0x4  }
0x10b: {  	v17 =	vshll.u32 v16, $0x1  }
0x10c: {  	v16 =	vand.u32 $0x7, v16;
	v17 =	vand.u32 $0xFFFFFFF0, v17  }
0x10d: {  	v16 =	vor.u32 v16, v17  }
0x10e: {  	v17 =	vperm.xlane v16, v0;
	_ =	sdelay $0x1  }
0x10f: {  	v16 =	vperm.xlane v16, v2;
	v17 =	vadd.s32 v1, v17;
	_ =	sdelay $0x1  }
0x110: {  	v16 =	vadd.s32 v1, v16;
	_ =	sdelay $0x1  }
0x111: {  	s15 =	simm.s32 $0x9400  }
0x112: {  	[tilespmem:s15], [sflag:$0x1] =	stream.indirect_vreg.gather [hbm4b:s3+s2], $0x80, v17, vm0, $0xb8;
	[tilespmem:$0x13580] =	vst v63  }
0x113: {  	s16 =	simm.s32 $0x9C00  }
0x114: {  	[tilespmem:s16], [sflag:$0x1] =	stream.indirect_vreg.gather [hbm4b:s3+s2], $0x80, v16, vm0, $0xb8;
	[tilespmem:$0x13580] =	vst v63  }
0x115: {  	v16 =	vld [tilespmem:s13+$0x40];
	_ =	sdelay $0x4  }
0x116: {  	v17 =	vshll.u32 v16, $0x1  }
0x117: {  	v16 =	vand.u32 $0x7, v16;
	v17 =	vand.u32 $0xFFFFFFF0, v17  }
0x118: {  	v16 =	vor.u32 v16, v17  }
0x119: {  	v17 =	vperm.xlane v16, v0;
	_ =	sdelay $0x1  }
0x11a: {  	v16 =	vperm.xlane v16, v2;
	v17 =	vadd.s32 v1, v17;
	_ =	sdelay $0x1  }
0x11b: {  	v16 =	vadd.s32 v1, v16;
	_ =	sdelay $0x1  }
0x11c: {  	s17 =	simm.s32 $0xA400  }
0x11d: {  	[tilespmem:s17], [sflag:$0x1] =	stream.indirect_vreg.gather [hbm4b:s3+s2], $0x80, v17, vm0, $0xb8;
	[tilespmem:$0x13580] =	vst v63  }
0x11e: {  	s18 =	simm.s32 $0xAC00  }
0x11f: {  	[tilespmem:s18], [sflag:$0x1] =	stream.indirect_vreg.gather [hbm4b:s3+s2], $0x80, v16, vm0, $0xb8;
	[tilespmem:$0x13580] =	vst v63  }
0x120: {  	v16 =	vld [tilespmem:s13+$0x50];
	_ =	sdelay $0x4  }
0x121: {  	v17 =	vshll.u32 v16, $0x1  }
0x122: {  	v16 =	vand.u32 $0x7, v16;
	v17 =	vand.u32 $0xFFFFFFF0, v17  }
0x123: {  	v16 =	vor.u32 v16, v17  }
0x124: {  	v17 =	vperm.xlane v16, v0;
	_ =	sdelay $0x1  }
0x125: {  	v16 =	vperm.xlane v16, v2;
	v17 =	vadd.s32 v1, v17;
	_ =	sdelay $0x1  }
0x126: {  	v16 =	vadd.s32 v1, v16;
	_ =	sdelay $0x1  }
0x127: {  	s19 =	simm.s32 $0xB400  }
0x128: {  	[tilespmem:s19], [sflag:$0x1] =	stream.indirect_vreg.gather [hbm4b:s3+s2], $0x80, v17, vm0, $0xb8;
	[tilespmem:$0x13580] =	vst v63  }
0x129: {  	s20 =	simm.s32 $0xBC00  }
0x12a: {  	[tilespmem:s20], [sflag:$0x1] =	stream.indirect_vreg.gather [hbm4b:s3+s2], $0x80, v16, vm0, $0xb8;
	[tilespmem:$0x13580] =	vst v63  }
0x12b: {  	v16 =	vld.msk [tilespmem:s13+$0x60], $0xff;
	_ =	sdelay $0x4  }
0x12c: {  	v17 =	vshll.u32 v16, $0x1  }
0x12d: {  	v16 =	vand.u32 $0x7, v16;
	v17 =	vand.u32 $0xFFFFFFF0, v17  }
0x12e: {  	v16 =	vor.u32 v16, v17  }
0x12f: {  	v16 =	vperm.xlane v16, v0;
	_ =	sdelay $0x1  }
0x130: {  	v16 =	vadd.s32 v1, v16;
	_ =	sdelay $0x4  }
0x131: {  	[tilespmem:s21], [sflag:$0x1] =	stream.indirect_vreg.gather [hbm4b:s3+s2], $0x80, v16, vm0, $0xb8;
	[tilespmem:$0x13580] =	vst v63  }
.LBB2_6:
0x132: {  	_ =	swait.ge [sflag:s9], $0x6000;
	s13 =	simm.s32 $0x0  }
0x133: {  	[sflag:s9] =	ssyncset.done $0x0;
	s14 =	sand.u32 $0x7800, s13  }
0x134: {  	s13 =	sand.u32 $0x300, s13;
	[sflag:s9] =	ssyncadd.s32 $0xFFFFA000;
	s15 =	sadd.s32 $0xCC00, s14  }
0x135: {  	s14 =	sadd.s32 $0xD000, s14;
	s17 =	sor.u32 $0x80, s13;
	s16 =	sor.u32 s13, s15  }
0x136: {  	s18 =	sor.u32 s17, s14;
	v20 =	vld [tilespmem:s16+$0x70]  }
0x137: {  	s15 =	sor.u32 s17, s15;
	v16 =	vld [tilespmem:s18+$0x0]  }
0x138: {  	v28 =	vld [tilespmem:s15+$0x0]  }
0x139: {  	v29 =	vld [tilespmem:s15+$0x50]  }
0x13a: {  	s13 =	sor.u32 s13, s14;
	v40 =	vld [tilespmem:s18+$0x10]  }
0x13b: {  	v24 =	vld [tilespmem:s13+$0x0]  }
0x13c: {  	v32 =	vld [tilespmem:s15+$0x40]  }
0x13d: {  	v35 =	vld [tilespmem:s16+$0x0]  }
0x13e: {  	v37 =	vld [tilespmem:s16+$0x10]  }
0x13f: {  	v42 =	vld [tilespmem:s16+$0x20]  }
0x140: {  	v18 =	vld [tilespmem:s15+$0x20]  }
0x141: {  	v48 =	vld [tilespmem:s13+$0x10];
	v17 =	vunpack.i.l.bf16.f32 v16;
	v41 =	vunpack.i.u.bf16.f32 v28;
	v16 =	vunpack.i.u.bf16.f32 v16  }
0x142: {  	v23 =	vunpack.i.u.bf16.f32 v20;
	v34 =	vunpack.i.l.bf16.f32 v40;
	v36 =	vunpack.i.l.bf16.f32 v24  }
0x143: {  	v22 =	vunpack.i.l.bf16.f32 v32;
	v19 =	vunpack.i.u.bf16.f32 v29;
	v24 =	vunpack.i.u.bf16.f32 v24  }
0x144: {  	v39 =	vld [tilespmem:s15+$0x60];
	v45 =	vunpack.i.u.bf16.f32 v35;
	v20 =	vunpack.i.l.bf16.f32 v20;
	v35 =	vunpack.i.l.bf16.f32 v35  }
0x145: {  	v44 =	vunpack.i.l.bf16.f32 v37;
	v49 =	vunpack.i.u.bf16.f32 v37;
	v50 =	vunpack.i.u.bf16.f32 v42  }
0x146: {  	v43 =	vld [tilespmem:s16+$0x30];
	v42 =	vunpack.i.l.bf16.f32 v42;
	v51 =	vunpack.i.u.bf16.f32 v48;
	v46 =	vunpack.i.l.bf16.f32 v18  }
0x147: {  	v37 =	vld [tilespmem:s16+$0x40];
	v63 =	vunpack.i.l.bf16.f32 v48;
	v23 =	vadd.f32 v23, v30;
	v38 =	vadd.f32 v20, v11  }
0x148: {  	v30 =	vunpack.i.l.bf16.f32 v29;
	v11 =	vld [tilespmem:s15+$0x30];
	v29 =	vunpack.i.l.bf16.f32 v28;
	v28 =	vunpack.i.u.bf16.f32 v32  }
0x149: {  	v20 =	vunpack.i.u.bf16.f32 v39;
	v32 =	vadd.f32 v35, v21;
	v21 =	vadd.f32 v45, v25;
	v35 =	vld [tilespmem:s16+$0x50]  }
0x14a: {  	v25 =	vunpack.i.l.bf16.f32 v39;
	v39 =	vld [tilespmem:s15+$0x70];
	v47 =	vadd.f32 v42, v31;
	v31 =	vadd.f32 v50, v33  }
0x14b: {  	v40 =	vunpack.i.u.bf16.f32 v40;
	v33 =	vld [tilespmem:s16+$0x60];
	v45 =	vadd.f32 v63, v26;
	v26 =	vadd.f32 v49, v6  }
0x14c: {  	s14 =	simm.s32 $0x200;
	s13 =	simm.s32 $0x100;
	v42 =	vadd.f32 v51, v27;
	v27 =	vld [tilespmem:s15+$0x10];
	v21 =	vadd.f32 v41, v21;
	v41 =	vunpack.i.u.bf16.f32 v43  }
.LBB2_7:
0x14d: {  	s15 =	sand.u32 $0x7800, s14  }
0x14e: {  	p0 =	sne.s32 s13, $0x2F00;
	v48 =	vunpack.i.u.bf16.f32 v37;
	v47 =	vadd.f32 v46, v47;
	v6 =	vadd.f32 v34, v45;
	s16 =	smov.u32 s13;
	s13 =	sadd.s32 $0x100, s13  }
0x14f: {  	v14 =	vadd.f32 v44, v14;
	s16 =	sand.u32 $0x300, s16;
	s18 =	sadd.s32 $0xCC00, s15;
	s19 =	sadd.s32 $0xD000, s15;
	v34 =	vunpack.i.l.bf16.f32 v39;
	v42 =	vadd.f32 v40, v42  }
0x150: {  	v15 =	vadd.f32 v36, v15;
	v36 =	vunpack.i.u.bf16.f32 v39;
	s15 =	sor.u32 s16, s18;
	s17 =	sor.u32 s16, s19;
	s20 =	sor.u32 $0x80, s16;
	v38 =	vadd.f32 v34, v38  }
0x151: {  	v37 =	vunpack.i.l.bf16.f32 v37;
	v34 =	vunpack.i.l.bf16.f32 v43;
	v39 =	vld [tilespmem:s15+$0x70];
	s16 =	sor.u32 s20, s18;
	s18 =	sor.u32 s20, s19;
	v40 =	vunpack.i.u.bf16.f32 v33  }
0x152: {  	v13 =	vadd.f32 v37, v13;
	v23 =	vadd.f32 v36, v23;
	v43 =	vld [tilespmem:s18+$0x0];
	v37 =	vunpack.i.u.bf16.f32 v27  }
0x153: {  	v3 =	vadd.f32 v24, v3;
	v10 =	vadd.f32 v48, v10;
	v36 =	vunpack.i.u.bf16.f32 v35;
	v45 =	vld [tilespmem:s16+$0x0]  }
0x154: {  	v24 =	vunpack.i.l.bf16.f32 v35;
	v35 =	vunpack.i.u.bf16.f32 v11;
	v5 =	vadd.f32 v36, v5;
	v46 =	vld [tilespmem:s16+$0x60]  }
0x155: {  	v8 =	vadd.f32 v41, v8;
	v3 =	vadd.f32 v16, v3;
	v27 =	vunpack.i.l.bf16.f32 v27;
	v44 =	vld [tilespmem:s16+$0x50]  }
0x156: {  	v9 =	vadd.f32 v24, v9;
	v24 =	vunpack.i.l.bf16.f32 v33;
	v14 =	vadd.f32 v27, v14;
	v41 =	vld [tilespmem:s18+$0x10]  }
0x157: {  	v33 =	vunpack.i.l.bf16.f32 v11;
	v8 =	vadd.f32 v35, v8;
	v10 =	vadd.f32 v28, v10;
	v27 =	vld [tilespmem:s16+$0x40]  }
0x158: {  	v7 =	vadd.f32 v34, v7;
	v9 =	vadd.f32 v30, v9;
	v35 =	vunpack.i.l.bf16.f32 v43;
	v28 =	vld [tilespmem:s16+$0x20]  }
0x159: {  	v4 =	vadd.f32 v40, v4;
	v5 =	vadd.f32 v19, v5;
	v48 =	vunpack.i.u.bf16.f32 v45;
	v30 =	vld [tilespmem:s17+$0x0]  }
0x15a: {  	v26 =	vadd.f32 v37, v26;
	v7 =	vadd.f32 v33, v7;
	v16 =	vunpack.i.u.bf16.f32 v43;
	v11 =	vld [tilespmem:s16+$0x30]  }
0x15b: {  	v13 =	vadd.f32 v22, v13;
	v40 =	vunpack.i.u.bf16.f32 v39;
	v33 =	vld [tilespmem:s15+$0x0];
	v34 =	vunpack.i.l.bf16.f32 v41  }
0x15c: {  	v12 =	vadd.f32 v24, v12;
	v19 =	vunpack.i.u.bf16.f32 v18;
	v4 =	vadd.f32 v20, v4;
	v43 =	vld [tilespmem:s15+$0x10]  }
0x15d: {  	v15 =	vadd.f32 v17, v15;
	v31 =	vadd.f32 v19, v31;
	v17 =	vmovc v35;
	v49 =	vld [tilespmem:s15+$0x20];
	v18 =	vmov v28  }
0x15e: {  	v19 =	vunpack.i.u.bf16.f32 v44;
	v22 =	vunpack.i.l.bf16.f32 v27;
	v37 =	vld [tilespmem:s15+$0x40];
	v36 =	vunpack.i.l.bf16.f32 v30  }
0x15f: {  	v32 =	vadd.f32 v29, v32;
	v23 =	vadd.f32 v40, v23;
	v24 =	vunpack.i.u.bf16.f32 v30;
	v35 =	vld [tilespmem:s15+$0x50]  }
0x160: {  	v20 =	vunpack.i.l.bf16.f32 v39;
	v40 =	vunpack.i.u.bf16.f32 v33;
	v33 =	vunpack.i.l.bf16.f32 v33;
	v50 =	vld [tilespmem:s17+$0x10]  }
0x161: {  	v12 =	vadd.f32 v25, v12;
	v38 =	vadd.f32 v20, v38;
	v30 =	vunpack.i.l.bf16.f32 v44  }
0x162: {  	v29 =	vunpack.i.l.bf16.f32 v45;
	v28 =	vunpack.i.u.bf16.f32 v27;
	v44 =	vunpack.i.l.bf16.f32 v43  }
0x163: {  	v20 =	vunpack.i.u.bf16.f32 v46;
	v27 =	vunpack.i.u.bf16.f32 v43;
	v45 =	vunpack.i.u.bf16.f32 v49;
	v43 =	vld [tilespmem:s15+$0x30]  }
.Ltmp2:
0x164: {  	v25 =	vunpack.i.l.bf16.f32 v46;
	v32 =	vadd.f32 v33, v32;
	v21 =	vadd.f32 v40, v21;
	(pc) =	sbr.rel @p0 .LBB2_7-.Ltmp2, $4  }
0x165: {  	v46 =	vunpack.i.l.bf16.f32 v18;
	v33 =	vunpack.i.l.bf16.f32 v49;
	v49 =	vunpack.i.u.bf16.f32 v50;
	v39 =	vld [tilespmem:s16+$0x70]  }
0x166: {  	v47 =	vadd.f32 v33, v47;
	v21 =	vadd.f32 v48, v21;
	v40 =	vunpack.i.l.bf16.f32 v50  }
0x167: {  	v31 =	vadd.f32 v45, v31;
	v45 =	vadd.f32 v40, v6;
	v40 =	vunpack.i.u.bf16.f32 v41;
	v33 =	vld [tilespmem:s15+$0x60]  }
0x168: {  	s14 =	sadd.s32 $0x200, s14;
	v26 =	vadd.f32 v27, v26;
	v42 =	vadd.f32 v49, v42;
	v41 =	vunpack.i.u.bf16.f32 v43;
	v27 =	vld [tilespmem:s16+$0x10]  }
0x169: {  	v29 =	vadd.f32 v29, v32  }
0x16a: {  	v6 =	vadd.f32 v46, v47;
	[tilespmem:$0x134A0] =	vst v21  }
0x16b: {  	v51 =	vadd.f32 v36, v15;
	v54 =	vadd.f32 v34, v45;
	v57 =	vunpack.i.u.bf16.f32 v18;
	[tilespmem:$0x13400] =	vst v29  }
0x16c: {  	v63 =	vunpack.i.l.bf16.f32 v37;
	v56 =	vadd.f32 v41, v8;
	v8 =	vadd.f32 v57, v31;
	[tilespmem:$0x13420] =	vst v6  }
0x16d: {  	v43 =	vunpack.i.l.bf16.f32 v43;
	v13 =	vadd.f32 v63, v13;
	v63 =	vadd.f32 v40, v42;
	[tilespmem:$0x13490] =	vst v54  }
0x16e: {  	v59 =	vunpack.i.u.bf16.f32 v11;
	v3 =	vadd.f32 v24, v3;
	v52 =	vadd.f32 v17, v51;
	[tilespmem:$0x134C0] =	vst v8  }
0x16f: {  	v7 =	vadd.f32 v43, v7;
	v6 =	vadd.f32 v59, v56;
	[tilespmem:$0x13530] =	vst v63  }
0x170: {  	v46 =	vunpack.i.l.bf16.f32 v35;
	v47 =	vunpack.i.l.bf16.f32 v11;
	v3 =	vadd.f32 v16, v3;
	[tilespmem:$0x13480] =	vst v52  }
0x171: {  	v58 =	vunpack.i.u.bf16.f32 v35;
	v9 =	vadd.f32 v46, v9;
	v7 =	vadd.f32 v47, v7;
	[tilespmem:$0x134D0] =	vst v6  }
0x172: {  	v5 =	vadd.f32 v58, v5;
	v13 =	vadd.f32 v22, v13;
	[tilespmem:$0x13520] =	vst v3  }
0x173: {  	v14 =	vadd.f32 v44, v14;
	v53 =	vunpack.i.u.bf16.f32 v37;
	v49 =	vadd.f32 v30, v9;
	[tilespmem:$0x13430] =	vst v7  }
0x174: {  	v50 =	vunpack.i.l.bf16.f32 v39;
	v5 =	vadd.f32 v19, v5;
	v62 =	vunpack.i.l.bf16.f32 v27;
	[tilespmem:$0x13440] =	vst v13  }
0x175: {  	v48 =	vunpack.i.l.bf16.f32 v33;
	v9 =	vadd.f32 v53, v10;
	v14 =	vadd.f32 v62, v14;
	[tilespmem:$0x13450] =	vst v49  }
0x176: {  	v60 =	vunpack.i.u.bf16.f32 v33;
	v12 =	vadd.f32 v48, v12;
	v7 =	vadd.f32 v50, v38;
	[tilespmem:$0x134F0] =	vst v5  }
0x177: {  	v4 =	vadd.f32 v60, v4;
	v61 =	vadd.f32 v28, v9;
	[tilespmem:$0x13410] =	vst v14  }
0x178: {  	v12 =	vadd.f32 v25, v12;
	[tilespmem:$0x13470] =	vst v7  }
0x179: {  	v62 =	vunpack.i.u.bf16.f32 v39;
	v4 =	vadd.f32 v20, v4;
	[tilespmem:$0x134E0] =	vst v61  }
0x17a: {  	s11 =	sadd.s32 s5, s11;
	v55 =	vunpack.i.u.bf16.f32 v27;
	v6 =	vadd.f32 v62, v23;
	[tilespmem:$0x13460] =	vst v12  }
0x17b: {  	s11 =	smul.u32 $0x28, s11;
	v7 =	vadd.f32 v55, v26;
	[tilespmem:$0x13500] =	vst v4  }
0x17c: {  	p0 =	sne.s32 s12, $0x80;
	[tilespmem:$0x13510] =	vst v6  }
.Ltmp3:
0x17d: {  	s11 =	sadd.s32 s4, s11;
	[tilespmem:$0x134B0] =	vst v7;
	(pc) =	sbr.rel @p0 .LBB2_2-.Ltmp3, $4  }
0x17e: {  	[hbm4b:s11+s2] =	stream.linear.scatter [tilespmem:s10], [sflag:$0x3], $0x140, $0x38;
	[tilespmem:$0x13580] =	vst v63  }
0x17f: {  	_ =	swait.ge [sflag:s8], $0x140  }
0x180: {  	[sflag:s8] =	ssyncset.done $0x0  }
0x181: {  	s11 =	smov.u32 s12;
	[sflag:s8] =	ssyncadd.s32 $0xFFFFFEC0  }
0x182: {  	s12 =	rddreg [dreg:$0x4]  }
0x183: {  	s11 =	rddreg [dreg:$0x3];
	s12 =	sadd.s32 $0x1, s12  }
0x184: {  	p0 =	sne.s32 s12, s11  }
.Ltmp4:
0x185: {  	_ = 	snop;
	(pc) =	sbr.rel @p0 .LBB2_1-.Ltmp4, $1  }
0x186: {  	_ =	sdelay $0x3  }
0x187: {  	_ =	sfence.sel $0x180000  }
0x188: {  	[bflag:$0x0] =	sbarrier.arrive $0xFFFF  }
0x189: {  	_ =	strace $0x90000047  }
0x18a: {  	s0 =	stileid.u32;
	[bflag:$0x2] =	sbarrier.arrive $0xFFFF  }
0x18b: {  	p0 =	sne.s32 s0, $0x0;
	s0 =	rddreg [dreg:$0x1]  }
0x18c: {  	s0 =	sadd.s32 @!p0 $0x100000, s0  }
0x18d: {  	[sflag:s0] =	ssyncadd.tile.s32 @!p0 $0x1;
	_ =	shalt  }
.Lfunc_end2:
_tile_overlayer_lowered:
.L_overlay_start_2:
0x18e: {  	(tag) =	ssettag $0x2  }
0x18f: {  	s0 =	rddreg [dreg:$0x0];
	s2 =	stileid.u32  }
0x190: {  	s1 =	rddreg [dreg:$0x1];
	p0 =	sne.s32 s2, $0x0  }
0x191: {  	s3 =	rddreg [dreg:$0x2];
	[bflag:$0x3] =	sbarrier.arrive $0xFFFF;
	s2 =	simm.s32 @!p0 $0x1C03  }
0x192: {  	[timem:s3], [sflag:s2] =	dma.local @!p0 [hbm:s0], s1  }
0x193: {  	s0 =	simm.s32 @!p0 $0x3  }
0x194: {  	_ =	swait.ge @!p0 [sflag:s0], s1  }
0x195: {  	s1 =	ssub.s32 @!p0 $0x0, s1;
	[sflag:s0] =	ssyncset.done @!p0 $0x0  }
0x196: {  	[sflag:s0] =	ssyncadd.s32 @!p0 s1  }
0x197: {  	[bflag:$0x3] =	sbarrier.arrive $0xFFFF  }
0x198: {  	_ =	shalt  }

</sc_bundles>
